<compile_context>
chip_gen: v7x
topology: tpu7x:2x2x1
jax: 0.10.2.dev20260603
libtpu: 0.0.44.dev20260713+nightly
codegen_flags: <defaults>
</compile_context>

<pallas_src>
import jax
import jax.numpy as jnp
from jax import lax
from jax.experimental import pallas as pl
from jax.experimental.pallas import tpu as pltpu

T = 2048
H = 1024
FF = 4096
FF2 = FF // 2
E = 8
NE = 10
TOPK = 2
TM = 256
NB = (T * TOPK) // TM + E
NPAD = NB * TM

_F32 = jnp.float32
_BF16 = jnp.bfloat16


def _router_body(x_ref, g_ref, logits_ref, meta_ref):
    x = x_ref[...]
    g = g_ref[...]
    logits = lax.dot_general(x, g, (((1,), (1,)), ((), ())),
                             preferred_element_type=_F32)
    logits_ref[...] = logits
    lane = lax.broadcasted_iota(jnp.int32, (T, 16), 1)
    masked = jnp.where(lane < NE, logits, -1e30)
    m = jnp.max(masked, axis=1, keepdims=True)
    ex = jnp.exp(masked - m)
    p = ex / jnp.sum(ex, axis=1, keepdims=True)
    p1 = jnp.max(p, axis=1, keepdims=True)
    i1 = jnp.min(jnp.where(p == p1, lane, 999), axis=1, keepdims=True)
    pm = jnp.where(lane == i1, -1.0, p)
    p2 = jnp.max(pm, axis=1, keepdims=True)
    i2 = jnp.min(jnp.where(pm == p2, lane, 999), axis=1, keepdims=True)
    m1 = (i1 < E).astype(_F32)
    m2 = (i2 < E).astype(_F32)
    s = p1 * m1 + p2 * m2
    d = jnp.where(s == 0.0, 1.0, s)
    w1 = p1 * m1 / d
    w2 = p2 * m2 / d
    lane8 = lax.broadcasted_iota(jnp.int32, (T, 8), 1)
    meta = jnp.where(lane8 == 0, w1,
                     jnp.where(lane8 == 1, w2,
                               jnp.where(lane8 == 2, i1.astype(_F32),
                                         i2.astype(_F32))))
    meta_ref[...] = meta


def _h1_body(be_ref, na_ref, tok_ref, x_ref, w1_ref, w3_ref, h1_ref):
    b = pl.program_id(1)
    active = b < na_ref[0]

    @pl.when(active)
    def _compute():
        ids = tok_ref[0, 0, :]
        cols = lax.broadcasted_iota(jnp.int32, (TM, T), 1)
        gb = (ids[:, None] == cols).astype(_F32)
        xt = jnp.dot(gb, x_ref[...], preferred_element_type=_F32)
        a = lax.dot_general(xt, w1_ref[0], (((1,), (1,)), ((), ())),
                            preferred_element_type=_F32)
        c = lax.dot_general(xt, w3_ref[0], (((1,), (1,)), ((), ())),
                            preferred_element_type=_F32)
        h1_ref[0, 0] = ((a * jax.nn.sigmoid(a)) * c).astype(_BF16)


def _out_body(be_ref, na_ref, tok_ref, ww_ref, h1a_ref, h1b_ref, w2_ref,
              out_ref, w2b_scr):
    b = pl.program_id(0)
    active = b < na_ref[0]

    @pl.when(b == 0)
    def _init():
        out_ref[...] = jnp.zeros_like(out_ref)

    new_w = (b == 0) | (be_ref[b] != be_ref[jnp.maximum(b - 1, 0)])

    @pl.when(active & new_w)
    def _cast():
        w2b_scr[...] = w2_ref[0].astype(_BF16)

    @pl.when(active)
    def _compute():
        oc = lax.dot_general(h1a_ref[0, 0], w2b_scr[:, :FF2],
                             (((1,), (1,)), ((), ())),
                             preferred_element_type=_F32)
        oc = oc + lax.dot_general(h1b_ref[0, 0], w2b_scr[:, FF2:],
                                  (((1,), (1,)), ((), ())),
                                  preferred_element_type=_F32)
        ww = ww_ref[0, 0, :]
        ow = oc * ww[:, None]
        ids = tok_ref[0, 0, :]
        cols = lax.broadcasted_iota(jnp.int32, (TM, T), 1)
        gb = (ids[:, None] == cols).astype(_F32)
        out_ref[...] += lax.dot_general(gb, ow, (((0,), (0,)), ((), ())),
                                        preferred_element_type=_F32)


def _h1_call(be, nact_arr, tok3, x, W1, W3):
    grid_spec = pltpu.PrefetchScalarGridSpec(
        num_scalar_prefetch=2,
        grid=(2, NB),
        in_specs=[
            pl.BlockSpec((1, 1, TM), lambda hf, b, be, na: (b, 0, 0)),
            pl.BlockSpec((T, H), lambda hf, b, be, na: (0, 0)),
            pl.BlockSpec((1, FF2, H),
                         lambda hf, b, be, na: (be[b], hf, 0)),
            pl.BlockSpec((1, FF2, H),
                         lambda hf, b, be, na: (be[b], hf, 0)),
        ],
        out_specs=pl.BlockSpec((1, 1, TM, FF2),
                               lambda hf, b, be, na: (hf, b, 0, 0)),
    )
    return pl.pallas_call(
        _h1_body,
        grid_spec=grid_spec,
        out_shape=jax.ShapeDtypeStruct((2, NB, TM, FF2), _BF16),
        compiler_params=pltpu.CompilerParams(
            dimension_semantics=("arbitrary", "arbitrary"),
            vmem_limit_bytes=60 * 1024 * 1024),
    )(be, nact_arr, tok3, x, W1, W3)


def kernel(hidden_states, gate_w, gate2_w, W1, W2, W3):
    b, s, h = hidden_states.shape
    x = hidden_states.reshape(T, H)

    gates = jnp.concatenate(
        [gate_w, gate2_w, jnp.zeros((16 - NE, H), _F32)], axis=0)

    logits16, meta = pl.pallas_call(
        _router_body,
        out_shape=(jax.ShapeDtypeStruct((T, 16), _F32),
                   jax.ShapeDtypeStruct((T, 8), _F32)),
    )(x, gates)

    router_logits = logits16[:, :NE]

    wts = meta[:, 0:2]
    eids = meta[:, 2:4].astype(jnp.int32)
    e_flat = eids.reshape(-1)
    w_flat = wts.reshape(-1)
    tok = jnp.arange(T * TOPK, dtype=jnp.int32) // TOPK
    key = jnp.where(e_flat < E, e_flat, E)
    cnt = jnp.bincount(key, length=E + 1)[:E].astype(jnp.int32)
    blocks_per = (cnt + TM - 1) // TM
    blk_start = jnp.concatenate(
        [jnp.zeros((1,), jnp.int32), jnp.cumsum(blocks_per)[:-1]])
    nact = jnp.sum(blocks_per).astype(jnp.int32)
    run_start = jnp.concatenate(
        [jnp.zeros((1,), jnp.int32), jnp.cumsum(cnt)])
    perm = jnp.argsort(key, stable=True)
    se = key[perm]
    st = tok[perm]
    sw = w_flat[perm]
    pos_in_run = jnp.arange(T * TOPK, dtype=jnp.int32) - run_start[se]
    dest = jnp.where(se < E,
                     TM * blk_start[jnp.minimum(se, E - 1)] + pos_in_run,
                     NPAD)
    row_tok = jnp.zeros((NPAD + 1,), jnp.int32).at[dest].set(st)[:NPAD]
    row_w = jnp.zeros((NPAD + 1,), _F32).at[dest].set(sw)[:NPAD]
    bidx = jnp.arange(NB, dtype=jnp.int32)
    be = jnp.sum(bidx[:, None] >= blk_start[None, :], axis=1).astype(jnp.int32) - 1
    be_last = be[jnp.maximum(nact - 1, 0)]
    be = jnp.where(bidx < nact, be, be_last)
    nact_arr = nact.reshape(1)

    tok3 = row_tok.reshape(NB, 1, TM)
    ww3 = row_w.reshape(NB, 1, TM)

    h1 = _h1_call(be, nact_arr, tok3, x, W1, W3)

    grid_spec = pltpu.PrefetchScalarGridSpec(
        num_scalar_prefetch=2,
        grid=(NB,),
        in_specs=[
            pl.BlockSpec((1, 1, TM), lambda b, be, na: (b, 0, 0)),
            pl.BlockSpec((1, 1, TM), lambda b, be, na: (b, 0, 0)),
            pl.BlockSpec((1, 1, TM, FF2), lambda b, be, na: (0, b, 0, 0)),
            pl.BlockSpec((1, 1, TM, FF2), lambda b, be, na: (1, b, 0, 0)),
            pl.BlockSpec((1, H, FF), lambda b, be, na: (be[b], 0, 0)),
        ],
        out_specs=pl.BlockSpec((T, H), lambda b, be, na: (0, 0)),
        scratch_shapes=[
            pltpu.VMEM((H, FF), _BF16),
        ],
    )
    final = pl.pallas_call(
        _out_body,
        grid_spec=grid_spec,
        out_shape=jax.ShapeDtypeStruct((T, H), _F32),
        compiler_params=pltpu.CompilerParams(
            dimension_semantics=("arbitrary",),
            vmem_limit_bytes=60 * 1024 * 1024),
    )(be, nact_arr, tok3, ww3, h1, h1, W2)

    return final.reshape(b, s, h), router_logits

# --- scband reference (transcript-rebuilt; emitter-appended) ---
"""Pipeline reference for scband-custom-mixtral-sparse-moe-block-8108898254884 (READ-ONLY COPY).

The authoritative reference and input builder live on the scoring server;
editing this copy changes nothing except your own understanding.
"""

import jax, jax.numpy as jnp
import numpy as np

B, S, H = 1, 2048, 1024
FF = 4096
E = 8
NULL = 2
TOPK = 2


def setup_inputs(seed: int = 0) -> dict:
    key = jax.random.key(seed)
    ks = jax.random.split(key, 6)
    hidden_states = jax.random.normal(ks[0], (B, S, H), dtype=jnp.float32)
    gate_w = jax.random.normal(ks[1], (E, H), dtype=jnp.float32) * 0.02
    gate2_w = jax.random.normal(ks[2], (NULL, H), dtype=jnp.float32) * 0.02
    W1 = jax.random.normal(ks[3], (E, FF, H), dtype=jnp.float32) * 0.02
    W2 = jax.random.normal(ks[4], (E, H, FF), dtype=jnp.float32) * 0.02
    W3 = jax.random.normal(ks[5], (E, FF, H), dtype=jnp.float32) * 0.02
    return {"hidden_states": hidden_states, "gate_w": gate_w, "gate2_w": gate2_w, "W1": W1, "W2": W2, "W3": W3}


def reference(hidden_states, gate_w, gate2_w, W1, W2, W3):
    b, s, h = hidden_states.shape
    x = hidden_states.reshape(-1, h)
    router_logits = jnp.concatenate([x @ gate_w.T, x @ gate2_w.T], axis=1)
    routing_weights = jax.nn.softmax(router_logits.astype(jnp.float32), axis=1)
    routing_weights, selected_experts = jax.lax.top_k(routing_weights, TOPK)
    mask = (selected_experts >= 0) & (selected_experts <= 7)
    selected_weights = routing_weights * mask.astype(routing_weights.dtype)
    selected_weights_sum = selected_weights.sum(axis=-1, keepdims=True)
    selected_weights_sum = jnp.where(selected_weights_sum == 0, 1.0, selected_weights_sum)
    normalized_weights = selected_weights / selected_weights_sum
    routing_weights = normalized_weights + routing_weights * jnp.logical_not(mask).astype(routing_weights.dtype)
    routing_weights = routing_weights.astype(x.dtype)
    final = jnp.zeros((b * s, h), dtype=x.dtype)
    for e in range(E):
        # per-token weight for expert e (0 if this expert was not selected in any top-k slot)
        w_e = (routing_weights * (selected_experts == e).astype(routing_weights.dtype)).sum(axis=-1)
        h1 = jax.nn.silu(x @ W1[e].T) * (x @ W3[e].T)
        out = h1 @ W2[e].T
        final = final + out * w_e[:, None]
    return final.reshape(b, s, h), router_logits

if __name__ == "__main__":
    import jax
    _d = setup_inputs()
    print(jax.jit(kernel)(*tuple(_d.values())))

</pallas_src>

<mosaic_0001>
module attributes {stable_mosaic.version = 14 : i64} {
  func.func @_router_body(%arg0: memref<2048x1024xf32, #tpu.memory_space<vmem>>, %arg1: memref<16x1024xf32, #tpu.memory_space<vmem>>, %arg2: memref<2048x16xf32, #tpu.memory_space<vmem>>, %arg3: memref<2048x8xf32, #tpu.memory_space<vmem>>) attributes {dimension_semantics = [], scalar_prefetch = 0 : i64, scratch_operands = 0 : i64, tpu.core_type = #tpu.core_type<tc>} {
    %get3A = arith.constant 0 : index
    %get3A_0 = arith.constant 0 : index
    %get3A_1 = vector.load %arg0[%get3A, %get3A_0] : memref<2048x1024xf32, #tpu.memory_space<vmem>>, vector<2048x1024xf32>
    %get3A_2 = arith.constant 0 : index
    %get3A_3 = arith.constant 0 : index
    %get3A_4 = vector.load %arg1[%get3A_2, %get3A_3] : memref<16x1024xf32, #tpu.memory_space<vmem>>, vector<16x1024xf32>
    %dot_general3A = arith.constant dense<0.000000e+00> : vector<2048x16xf32>
    %dot_general3A_5 = tpu.matmul %get3A_1, %get3A_4, %dot_general3A {dimension_numbers = #tpu.dot_dimension_numbers<[1], [1], [0], [0], [0, 0, 1, 0], [], []>, transpose_lhs_hint = false} : vector<2048x1024xf32>, vector<16x1024xf32>, vector<2048x16xf32> -> vector<2048x16xf32>
    %swap3A = arith.constant 0 : index
    %swap3A_6 = arith.constant 0 : index
    %swap3A_7 = vector.load %arg2[%swap3A, %swap3A_6] : memref<2048x16xf32, #tpu.memory_space<vmem>>, vector<2048x16xf32>
    tpu.vector_store %arg2[%swap3A, %swap3A_6], %dot_general3A_5 {strides = array<i32>} : memref<2048x16xf32, #tpu.memory_space<vmem>>, vector<2048x16xf32>,
    %iota3A = tpu.iota {dimensions = array<i32: 1>} : vector<2048x16xi32>
    %lt3A = arith.constant 10 : i32
    %lt3A_8 = vector.broadcast %lt3A : i32 to vector<2048x16xi32>
    %lt3A_9 = arith.cmpi slt, %iota3A, %lt3A_8 : vector<2048x16xi32>
    %jit3A = arith.constant -1.000000e+30 : f32
    %broadcast_in_dim3A = vector.broadcast %jit3A : f32 to vector<2048x16xf32>
    %select_n3A = arith.select %lt3A_9, %dot_general3A_5, %broadcast_in_dim3A : vector<2048x16xi1>, vector<2048x16xf32>
    %reduce_max3A = arith.constant dense<0xFF800000> : vector<2048xf32>
    %reduce_max3A_10 = vector.multi_reduction <maximumf>, %select_n3A, %reduce_max3A [1] : vector<2048x16xf32> to vector<2048xf32>
    %broadcast_in_dim3A_11 = vector.shape_cast %reduce_max3A_10 : vector<2048xf32> to vector<2048x1xf32>
    %sub3A = vector.broadcast %broadcast_in_dim3A_11 : vector<2048x1xf32> to vector<2048x16xf32>
    %sub3A_12 = arith.subf %select_n3A, %sub3A : vector<2048x16xf32>
    %exp3A = math.exp %sub3A_12 : vector<2048x16xf32>
    %reduce_sum3A = arith.constant dense<0.000000e+00> : vector<2048xf32>
    %reduce_sum3A_13 = vector.multi_reduction <add>, %exp3A, %reduce_sum3A [1] : vector<2048x16xf32> to vector<2048xf32>
    %broadcast_in_dim3A_14 = vector.shape_cast %reduce_sum3A_13 : vector<2048xf32> to vector<2048x1xf32>
    %div3A = vector.broadcast %broadcast_in_dim3A_14 : vector<2048x1xf32> to vector<2048x16xf32>
    %div3A_15 = arith.divf %exp3A, %div3A : vector<2048x16xf32>
    %reduce_max3A_16 = arith.constant dense<0xFF800000> : vector<2048xf32>
    %reduce_max3A_17 = vector.multi_reduction <maximumf>, %div3A_15, %reduce_max3A_16 [1] : vector<2048x16xf32> to vector<2048xf32>
    %broadcast_in_dim3A_18 = vector.shape_cast %reduce_max3A_17 : vector<2048xf32> to vector<2048x1xf32>
    %eq3A = vector.broadcast %broadcast_in_dim3A_18 : vector<2048x1xf32> to vector<2048x16xf32>
    %eq3A_19 = arith.cmpf oeq, %div3A_15, %eq3A : vector<2048x16xf32>
    %jit3A_20 = arith.constant 999 : i32
    %broadcast_in_dim3A_21 = vector.broadcast %jit3A_20 : i32 to vector<2048x16xi32>
    %select_n3A_22 = arith.select %eq3A_19, %iota3A, %broadcast_in_dim3A_21 : vector<2048x16xi1>, vector<2048x16xi32>
    %reduce_min3A = arith.constant dense<2147483647> : vector<2048xi32>
    %reduce_min3A_23 = vector.multi_reduction <minsi>, %select_n3A_22, %reduce_min3A [1] : vector<2048x16xi32> to vector<2048xi32>
    %broadcast_in_dim3A_24 = vector.shape_cast %reduce_min3A_23 : vector<2048xi32> to vector<2048x1xi32>
    %eq3A_25 = vector.broadcast %broadcast_in_dim3A_24 : vector<2048x1xi32> to vector<2048x16xi32>
    %eq3A_26 = arith.cmpi eq, %iota3A, %eq3A_25 : vector<2048x16xi32>
    %jit3A_27 = arith.constant -1.000000e+00 : f32
    %broadcast_in_dim3A_28 = vector.broadcast %jit3A_27 : f32 to vector<2048x16xf32>
    %select_n3A_29 = arith.select %eq3A_26, %broadcast_in_dim3A_28, %div3A_15 : vector<2048x16xi1>, vector<2048x16xf32>
    %reduce_max3A_30 = arith.constant dense<0xFF800000> : vector<2048xf32>
    %reduce_max3A_31 = vector.multi_reduction <maximumf>, %select_n3A_29, %reduce_max3A_30 [1] : vector<2048x16xf32> to vector<2048xf32>
    %broadcast_in_dim3A_32 = vector.shape_cast %reduce_max3A_31 : vector<2048xf32> to vector<2048x1xf32>
    %eq3A_33 = vector.broadcast %broadcast_in_dim3A_32 : vector<2048x1xf32> to vector<2048x16xf32>
    %eq3A_34 = arith.cmpf oeq, %select_n3A_29, %eq3A_33 : vector<2048x16xf32>
    %jit3A_35 = arith.constant 999 : i32
    %broadcast_in_dim3A_36 = vector.broadcast %jit3A_35 : i32 to vector<2048x16xi32>
    %select_n3A_37 = arith.select %eq3A_34, %iota3A, %broadcast_in_dim3A_36 : vector<2048x16xi1>, vector<2048x16xi32>
    %reduce_min3A_38 = arith.constant dense<2147483647> : vector<2048xi32>
    %reduce_min3A_39 = vector.multi_reduction <minsi>, %select_n3A_37, %reduce_min3A_38 [1] : vector<2048x16xi32> to vector<2048xi32>
    %broadcast_in_dim3A_40 = vector.shape_cast %reduce_min3A_39 : vector<2048xi32> to vector<2048x1xi32>
    %lt3A_41 = arith.constant 8 : i32
    %lt3A_42 = vector.broadcast %lt3A_41 : i32 to vector<2048x1xi32>
    %lt3A_43 = arith.cmpi slt, %broadcast_in_dim3A_24, %lt3A_42 : vector<2048x1xi32>
    %convert_element_type3A = arith.extui %lt3A_43 : vector<2048x1xi1> to vector<2048x1xi32>
    %convert_element_type3A_44 = arith.sitofp %convert_element_type3A : vector<2048x1xi32> to vector<2048x1xf32>
    %lt3A_45 = arith.constant 8 : i32
    %lt3A_46 = vector.broadcast %lt3A_45 : i32 to vector<2048x1xi32>
    %lt3A_47 = arith.cmpi slt, %broadcast_in_dim3A_40, %lt3A_46 : vector<2048x1xi32>
    %convert_element_type3A_48 = arith.extui %lt3A_47 : vector<2048x1xi1> to vector<2048x1xi32>
    %convert_element_type3A_49 = arith.sitofp %convert_element_type3A_48 : vector<2048x1xi32> to vector<2048x1xf32>
    %mul3A = arith.mulf %broadcast_in_dim3A_18, %convert_element_type3A_44 : vector<2048x1xf32>
    %mul3A_50 = arith.mulf %broadcast_in_dim3A_32, %convert_element_type3A_49 : vector<2048x1xf32>
    %add3A = arith.addf %mul3A, %mul3A_50 : vector<2048x1xf32>
    %eq3A_51 = arith.constant 0.000000e+00 : f32
    %eq3A_52 = vector.broadcast %eq3A_51 : f32 to vector<2048x1xf32>
    %eq3A_53 = arith.cmpf oeq, %add3A, %eq3A_52 : vector<2048x1xf32>
    %jit3A_54 = arith.constant 1.000000e+00 : f32
    %broadcast_in_dim3A_55 = vector.broadcast %jit3A_54 : f32 to vector<2048x1xf32>
    %select_n3A_56 = arith.select %eq3A_53, %broadcast_in_dim3A_55, %add3A : vector<2048x1xi1>, vector<2048x1xf32>
    %mul3A_57 = arith.mulf %broadcast_in_dim3A_18, %convert_element_type3A_44 : vector<2048x1xf32>
    %div3A_58 = arith.divf %mul3A_57, %select_n3A_56 : vector<2048x1xf32>
    %mul3A_59 = arith.mulf %broadcast_in_dim3A_32, %convert_element_type3A_49 : vector<2048x1xf32>
    %div3A_60 = arith.divf %mul3A_59, %select_n3A_56 : vector<2048x1xf32>
    %iota3A_61 = tpu.iota {dimensions = array<i32: 1>} : vector<2048x8xi32>
    %eq3A_62 = arith.constant 0 : i32
    %eq3A_63 = vector.broadcast %eq3A_62 : i32 to vector<2048x8xi32>
    %eq3A_64 = arith.cmpi eq, %iota3A_61, %eq3A_63 : vector<2048x8xi32>
    %eq3A_65 = arith.constant 1 : i32
    %eq3A_66 = vector.broadcast %eq3A_65 : i32 to vector<2048x8xi32>
    %eq3A_67 = arith.cmpi eq, %iota3A_61, %eq3A_66 : vector<2048x8xi32>
    %eq3A_68 = arith.constant 2 : i32
    %eq3A_69 = vector.broadcast %eq3A_68 : i32 to vector<2048x8xi32>
    %eq3A_70 = arith.cmpi eq, %iota3A_61, %eq3A_69 : vector<2048x8xi32>
    %convert_element_type3A_71 = arith.sitofp %broadcast_in_dim3A_24 : vector<2048x1xi32> to vector<2048x1xf32>
    %convert_element_type3A_72 = arith.sitofp %broadcast_in_dim3A_40 : vector<2048x1xi32> to vector<2048x1xf32>
    %broadcast_in_dim3A_73 = vector.shape_cast %convert_element_type3A_71 : vector<2048x1xf32> to vector<2048x1xf32>
    %broadcast_in_dim3A_74 = vector.broadcast %broadcast_in_dim3A_73 : vector<2048x1xf32> to vector<2048x8xf32>
    %broadcast_in_dim3A_75 = vector.shape_cast %convert_element_type3A_72 : vector<2048x1xf32> to vector<2048x1xf32>
    %broadcast_in_dim3A_76 = vector.broadcast %broadcast_in_dim3A_75 : vector<2048x1xf32> to vector<2048x8xf32>
    %select_n3A_77 = arith.select %eq3A_70, %broadcast_in_dim3A_74, %broadcast_in_dim3A_76 : vector<2048x8xi1>, vector<2048x8xf32>
    %broadcast_in_dim3A_78 = vector.shape_cast %div3A_60 : vector<2048x1xf32> to vector<2048x1xf32>
    %broadcast_in_dim3A_79 = vector.broadcast %broadcast_in_dim3A_78 : vector<2048x1xf32> to vector<2048x8xf32>
    %select_n3A_80 = arith.select %eq3A_67, %broadcast_in_dim3A_79, %select_n3A_77 : vector<2048x8xi1>, vector<2048x8xf32>
    %broadcast_in_dim3A_81 = vector.shape_cast %div3A_58 : vector<2048x1xf32> to vector<2048x1xf32>
    %broadcast_in_dim3A_82 = vector.broadcast %broadcast_in_dim3A_81 : vector<2048x1xf32> to vector<2048x8xf32>
    %select_n3A_83 = arith.select %eq3A_64, %broadcast_in_dim3A_82, %select_n3A_80 : vector<2048x8xi1>, vector<2048x8xf32>
    %swap3A_84 = arith.constant 0 : index
    %swap3A_85 = arith.constant 0 : index
    %swap3A_86 = vector.load %arg3[%swap3A_84, %swap3A_85] : memref<2048x8xf32, #tpu.memory_space<vmem>>, vector<2048x8xf32>
    tpu.vector_store %arg3[%swap3A_84, %swap3A_85], %select_n3A_83 {strides = array<i32>} : memref<2048x8xf32, #tpu.memory_space<vmem>>, vector<2048x8xf32>,
    return
  }
}

module attributes {stable_mosaic.version = 14 : i64} {
  func.func @_h1_body(%arg0: i32, %arg1: i32, %arg2: memref<24xi32, #tpu.memory_space<smem>>, %arg3: memref<1xi32, #tpu.memory_space<smem>>, %arg4: memref<1x1x256xi32, #tpu.memory_space<vmem>>, %arg5: memref<2048x1024xf32, #tpu.memory_space<vmem>>, %arg6: memref<1x2048x1024xf32, #tpu.memory_space<vmem>>, %arg7: memref<1x2048x1024xf32, #tpu.memory_space<vmem>>, %arg8: memref<1x1x256x2048xbf16, #tpu.memory_space<vmem>>) attributes {dimension_semantics = [#tpu.dimension_semantics<arbitrary>, #tpu.dimension_semantics<arbitrary>], iteration_bounds = array<i64: 2, 24>, scalar_prefetch = 2 : i64, scratch_operands = 0 : i64, tpu.core_type = #tpu.core_type<tc>, window_params = [{transform_indices = @transform_0, window_bounds = array<i64: 1, 1, 256>}, {pipeline_mode = #tpu.pipeline_mode<synchronous>, transform_indices = @transform_1, window_bounds = array<i64: 2048, 1024>}, {transform_indices = @transform_2, window_bounds = array<i64: 1, 2048, 1024>}, {transform_indices = @transform_3, window_bounds = array<i64: 1, 2048, 1024>}, {transform_indices = @transform_4, window_bounds = array<i64: 1, 1, 256, 2048>}]} {
    %get3A = arith.constant 0 : index
    %get3A_0 = memref.load %arg3[%get3A] : memref<1xi32, #tpu.memory_space<smem>>
    %lt3A = arith.cmpi slt, %arg1, %get3A_0 : i32
    %convert_element_type3A = arith.extui %lt3A : i1 to i32
    %cond3A = arith.constant 0 : i32
    %cond3A_1 = arith.cmpi ne, %convert_element_type3A, %cond3A : i32
    scf.if %cond3A_1 {
      %get3A_2 = arith.constant 0 : index
      %get3A_3 = arith.constant 0 : index
      %get3A_4 = arith.constant 0 : index
      %get3A_5 = vector.load %arg4[%get3A_2, %get3A_3, %get3A_4] : memref<1x1x256xi32, #tpu.memory_space<vmem>>, vector<1x1x256xi32>
      %get3A_6 = vector.shape_cast %get3A_5 : vector<1x1x256xi32> to vector<256xi32>
      %iota3A = tpu.iota {dimensions = array<i32: 1>} : vector<256x2048xi32>
      %broadcast_in_dim3A = vector.shape_cast %get3A_6 : vector<256xi32> to vector<256x1xi32>
      %eq3A = vector.broadcast %broadcast_in_dim3A : vector<256x1xi32> to vector<256x2048xi32>
      %eq3A_7 = arith.cmpi eq, %eq3A, %iota3A : vector<256x2048xi32>
      %convert_element_type3A_8 = arith.extui %eq3A_7 : vector<256x2048xi1> to vector<256x2048xi32>
      %convert_element_type3A_9 = arith.sitofp %convert_element_type3A_8 : vector<256x2048xi32> to vector<256x2048xf32>
      %get3A_10 = arith.constant 0 : index
      %get3A_11 = arith.constant 0 : index
      %get3A_12 = vector.load %arg5[%get3A_10, %get3A_11] : memref<2048x1024xf32, #tpu.memory_space<vmem>>, vector<2048x1024xf32>
      %dot_general3A = arith.constant dense<0.000000e+00> : vector<256x1024xf32>
      %dot_general3A_13 = tpu.matmul %convert_element_type3A_9, %get3A_12, %dot_general3A {dimension_numbers = #tpu.dot_dimension_numbers<[1], [0], [0], [1], [0, 0, 1, 1], [], []>, transpose_lhs_hint = false} : vector<256x2048xf32>, vector<2048x1024xf32>, vector<256x1024xf32> -> vector<256x1024xf32>
      %get3A_14 = arith.constant 0 : index
      %get3A_15 = arith.constant 0 : index
      %get3A_16 = arith.constant 0 : index
      %get3A_17 = vector.load %arg6[%get3A_14, %get3A_15, %get3A_16] : memref<1x2048x1024xf32, #tpu.memory_space<vmem>>, vector<1x2048x1024xf32>
      %get3A_18 = vector.shape_cast %get3A_17 : vector<1x2048x1024xf32> to vector<2048x1024xf32>
      %dot_general3A_19 = arith.constant dense<0.000000e+00> : vector<256x2048xf32>
      %dot_general3A_20 = tpu.matmul %dot_general3A_13, %get3A_18, %dot_general3A_19 {dimension_numbers = #tpu.dot_dimension_numbers<[1], [1], [0], [0], [0, 0, 1, 0], [], []>, transpose_lhs_hint = false} : vector<256x1024xf32>, vector<2048x1024xf32>, vector<256x2048xf32> -> vector<256x2048xf32>
      %get3A_21 = arith.constant 0 : index
      %get3A_22 = arith.constant 0 : index
      %get3A_23 = arith.constant 0 : index
      %get3A_24 = vector.load %arg7[%get3A_21, %get3A_22, %get3A_23] : memref<1x2048x1024xf32, #tpu.memory_space<vmem>>, vector<1x2048x1024xf32>
      %get3A_25 = vector.shape_cast %get3A_24 : vector<1x2048x1024xf32> to vector<2048x1024xf32>
      %dot_general3A_26 = arith.constant dense<0.000000e+00> : vector<256x2048xf32>
      %dot_general3A_27 = tpu.matmul %dot_general3A_13, %get3A_25, %dot_general3A_26 {dimension_numbers = #tpu.dot_dimension_numbers<[1], [1], [0], [0], [0, 0, 1, 0], [], []>, transpose_lhs_hint = false} : vector<256x1024xf32>, vector<2048x1024xf32>, vector<256x2048xf32> -> vector<256x2048xf32>
      %logistic3A = arith.negf %dot_general3A_20 : vector<256x2048xf32>
      %logistic3A_28 = math.exp %logistic3A : vector<256x2048xf32>
      %logistic3A_29 = arith.constant 1.000000e+00 : f32
      %logistic3A_30 = vector.broadcast %logistic3A_29 : f32 to vector<256x2048xf32>
      %logistic3A_31 = arith.addf %logistic3A_30, %logistic3A_28 : vector<256x2048xf32>
      %logistic3A_32 = arith.divf %logistic3A_30, %logistic3A_31 : vector<256x2048xf32>
      %mul3A = arith.mulf %dot_general3A_20, %logistic3A_32 : vector<256x2048xf32>
      %mul3A_33 = arith.mulf %mul3A, %dot_general3A_27 : vector<256x2048xf32>
      %convert_element_type3A_34 = arith.truncf %mul3A_33 : vector<256x2048xf32> to vector<256x2048xbf16>
      %swap3A = arith.constant 0 : index
      %swap3A_35 = arith.constant 0 : index
      %swap3A_36 = arith.constant 0 : index
      %swap3A_37 = arith.constant 0 : index
      %swap3A_38 = vector.load %arg8[%swap3A, %swap3A_35, %swap3A_36, %swap3A_37] : memref<1x1x256x2048xbf16, #tpu.memory_space<vmem>>, vector<1x1x256x2048xbf16>
      %swap3A_39 = vector.shape_cast %swap3A_38 : vector<1x1x256x2048xbf16> to vector<256x2048xbf16>
      %swap3A_40 = vector.shape_cast %convert_element_type3A_34 : vector<256x2048xbf16> to vector<1x1x256x2048xbf16>
      tpu.vector_store %arg8[%swap3A, %swap3A_35, %swap3A_36, %swap3A_37], %swap3A_40 {strides = array<i32>} : memref<1x1x256x2048xbf16, #tpu.memory_space<vmem>>, vector<1x1x256x2048xbf16>,
    } else {
    }
    return
  }
  func.func @transform_0(%arg0: i32, %arg1: i32, %arg2: memref<24xi32, #tpu.memory_space<smem>>, %arg3: memref<1xi32, #tpu.memory_space<smem>>) -> (i32, i32, i32) {
    %c0_i32 = arith.constant 0 : i32
    %c0_i32_0 = arith.constant 0 : i32
    %c0_i32_1 = arith.constant 0 : i32
    return %arg1, %c0_i32, %c0_i32_0 : i32, i32, i32
  }
  func.func @transform_1(%arg0: i32, %arg1: i32, %arg2: memref<24xi32, #tpu.memory_space<smem>>, %arg3: memref<1xi32, #tpu.memory_space<smem>>) -> (i32, i32) {
    %c0_i32 = arith.constant 0 : i32
    %c0_i32_0 = arith.constant 0 : i32
    %c0_i32_1 = arith.constant 0 : i32
    return %c0_i32, %c0_i32_0 : i32, i32
  }
  func.func @transform_2(%arg0: i32, %arg1: i32, %arg2: memref<24xi32, #tpu.memory_space<smem>>, %arg3: memref<1xi32, #tpu.memory_space<smem>>) -> (i32, i32, i32) {
    %get3A = arith.index_cast %arg1 : i32 to index
    %get3A_0 = memref.load %arg2[%get3A] : memref<24xi32, #tpu.memory_space<smem>>
    %c0_i32 = arith.constant 0 : i32
    %c0_i32_1 = arith.constant 0 : i32
    return %get3A_0, %arg0, %c0_i32 : i32, i32, i32
  }
  func.func @transform_3(%arg0: i32, %arg1: i32, %arg2: memref<24xi32, #tpu.memory_space<smem>>, %arg3: memref<1xi32, #tpu.memory_space<smem>>) -> (i32, i32, i32) {
    %get3A = arith.index_cast %arg1 : i32 to index
    %get3A_0 = memref.load %arg2[%get3A] : memref<24xi32, #tpu.memory_space<smem>>
    %c0_i32 = arith.constant 0 : i32
    %c0_i32_1 = arith.constant 0 : i32
    return %get3A_0, %arg0, %c0_i32 : i32, i32, i32
  }
  func.func @transform_4(%arg0: i32, %arg1: i32, %arg2: memref<24xi32, #tpu.memory_space<smem>>, %arg3: memref<1xi32, #tpu.memory_space<smem>>) -> (i32, i32, i32, i32) {
    %c0_i32 = arith.constant 0 : i32
    %c0_i32_0 = arith.constant 0 : i32
    %c0_i32_1 = arith.constant 0 : i32
    return %arg0, %arg1, %c0_i32, %c0_i32_0 : i32, i32, i32, i32
  }
}

module attributes {stable_mosaic.version = 14 : i64} {
  func.func @_out_body(%arg0: i32, %arg1: memref<24xi32, #tpu.memory_space<smem>>, %arg2: memref<1xi32, #tpu.memory_space<smem>>, %arg3: memref<1x1x256xi32, #tpu.memory_space<vmem>>, %arg4: memref<1x1x256xf32, #tpu.memory_space<vmem>>, %arg5: memref<1x1x256x2048xbf16, #tpu.memory_space<vmem>>, %arg6: memref<1x1x256x2048xbf16, #tpu.memory_space<vmem>>, %arg7: memref<1x1024x4096xf32, #tpu.memory_space<vmem>>, %arg8: memref<2048x1024xf32, #tpu.memory_space<vmem>>, %arg9: memref<1024x4096xbf16, #tpu.memory_space<vmem>>) attributes {dimension_semantics = [#tpu.dimension_semantics<arbitrary>], iteration_bounds = array<i64: 24>, scalar_prefetch = 2 : i64, scratch_operands = 1 : i64, tpu.core_type = #tpu.core_type<tc>, window_params = [{transform_indices = @transform_0, window_bounds = array<i64: 1, 1, 256>}, {transform_indices = @transform_1, window_bounds = array<i64: 1, 1, 256>}, {transform_indices = @transform_2, window_bounds = array<i64: 1, 1, 256, 2048>}, {transform_indices = @transform_3, window_bounds = array<i64: 1, 1, 256, 2048>}, {transform_indices = @transform_4, window_bounds = array<i64: 1, 1024, 4096>}, {pipeline_mode = #tpu.pipeline_mode<synchronous>, transform_indices = @transform_5, window_bounds = array<i64: 2048, 1024>}]} {
    %get3A = arith.constant 0 : index
    %get3A_0 = memref.load %arg2[%get3A] : memref<1xi32, #tpu.memory_space<smem>>
    %lt3A = arith.cmpi slt, %arg0, %get3A_0 : i32
    %eq3A = arith.constant 0 : i32
    %eq3A_1 = arith.cmpi eq, %arg0, %eq3A : i32
    %convert_element_type3A = arith.extui %eq3A_1 : i1 to i32
    %cond3A = arith.constant 0 : i32
    %cond3A_2 = arith.cmpi ne, %convert_element_type3A, %cond3A : i32
    scf.if %cond3A_2 {
      %broadcast_in_dim3A = arith.constant 0.000000e+00 : f32
      %broadcast_in_dim3A_17 = vector.broadcast %broadcast_in_dim3A : f32 to vector<2048x1024xf32>
      %swap3A = arith.constant 0 : index
      %swap3A_18 = arith.constant 0 : index
      %swap3A_19 = vector.load %arg8[%swap3A, %swap3A_18] : memref<2048x1024xf32, #tpu.memory_space<vmem>>, vector<2048x1024xf32>
      tpu.vector_store %arg8[%swap3A, %swap3A_18], %broadcast_in_dim3A_17 {strides = array<i32>} : memref<2048x1024xf32, #tpu.memory_space<vmem>>, vector<2048x1024xf32>,
    } else {
    }
    %eq3A_3 = arith.constant 0 : i32
    %eq3A_4 = arith.cmpi eq, %arg0, %eq3A_3 : i32
    %get3A_5 = arith.index_cast %arg0 : i32 to index
    %get3A_6 = memref.load %arg1[%get3A_5] : memref<24xi32, #tpu.memory_space<smem>>
    %sub3A = arith.constant 1 : i32
    %sub3A_7 = arith.subi %arg0, %sub3A : i32
    %max3A = arith.constant 0 : i32
    %max3A_8 = arith.maxsi %sub3A_7, %max3A : i32
    %get3A_9 = arith.index_cast %max3A_8 : i32 to index
    %get3A_10 = memref.load %arg1[%get3A_9] : memref<24xi32, #tpu.memory_space<smem>>
    %ne3A = arith.cmpi ne, %get3A_6, %get3A_10 : i32
    %or3A = arith.ori %eq3A_4, %ne3A : i1
    %and3A = arith.andi %lt3A, %or3A : i1
    %convert_element_type3A_11 = arith.extui %and3A : i1 to i32
    %cond3A_12 = arith.constant 0 : i32
    %cond3A_13 = arith.cmpi ne, %convert_element_type3A_11, %cond3A_12 : i32
    scf.if %cond3A_13 {
      %get3A_17 = arith.constant 0 : index
      %get3A_18 = arith.constant 0 : index
      %get3A_19 = arith.constant 0 : index
      %get3A_20 = vector.load %arg7[%get3A_17, %get3A_18, %get3A_19] : memref<1x1024x4096xf32, #tpu.memory_space<vmem>>, vector<1x1024x4096xf32>
      %get3A_21 = vector.shape_cast %get3A_20 : vector<1x1024x4096xf32> to vector<1024x4096xf32>
      %convert_element_type3A_22 = arith.truncf %get3A_21 : vector<1024x4096xf32> to vector<1024x4096xbf16>
      %swap3A = arith.constant 0 : index
      %swap3A_23 = arith.constant 0 : index
      %swap3A_24 = vector.load %arg9[%swap3A, %swap3A_23] : memref<1024x4096xbf16, #tpu.memory_space<vmem>>, vector<1024x4096xbf16>
      tpu.vector_store %arg9[%swap3A, %swap3A_23], %convert_element_type3A_22 {strides = array<i32>} : memref<1024x4096xbf16, #tpu.memory_space<vmem>>, vector<1024x4096xbf16>,
    } else {
    }
    %convert_element_type3A_14 = arith.extui %lt3A : i1 to i32
    %cond3A_15 = arith.constant 0 : i32
    %cond3A_16 = arith.cmpi ne, %convert_element_type3A_14, %cond3A_15 : i32
    scf.if %cond3A_16 {
      %get3A_17 = arith.constant 0 : index
      %get3A_18 = arith.constant 0 : index
      %get3A_19 = arith.constant 0 : index
      %get3A_20 = arith.constant 0 : index
      %get3A_21 = vector.load %arg5[%get3A_17, %get3A_18, %get3A_19, %get3A_20] : memref<1x1x256x2048xbf16, #tpu.memory_space<vmem>>, vector<1x1x256x2048xbf16>
      %get3A_22 = vector.shape_cast %get3A_21 : vector<1x1x256x2048xbf16> to vector<256x2048xbf16>
      %get3A_23 = arith.constant 0 : index
      %get3A_24 = arith.constant 0 : index
      %get3A_25 = vector.load %arg9[%get3A_23, %get3A_24] : memref<1024x4096xbf16, #tpu.memory_space<vmem>>, vector<1024x2048xbf16>
      %dot_general3A = arith.constant dense<0.000000e+00> : vector<256x1024xf32>
      %dot_general3A_26 = tpu.matmul %get3A_22, %get3A_25, %dot_general3A {dimension_numbers = #tpu.dot_dimension_numbers<[1], [1], [0], [0], [0, 0, 1, 0], [], []>, transpose_lhs_hint = false} : vector<256x2048xbf16>, vector<1024x2048xbf16>, vector<256x1024xf32> -> vector<256x1024xf32>
      %get3A_27 = arith.constant 0 : index
      %get3A_28 = arith.constant 0 : index
      %get3A_29 = arith.constant 0 : index
      %get3A_30 = arith.constant 0 : index
      %get3A_31 = vector.load %arg6[%get3A_27, %get3A_28, %get3A_29, %get3A_30] : memref<1x1x256x2048xbf16, #tpu.memory_space<vmem>>, vector<1x1x256x2048xbf16>
      %get3A_32 = vector.shape_cast %get3A_31 : vector<1x1x256x2048xbf16> to vector<256x2048xbf16>
      %get3A_33 = arith.constant 0 : index
      %get3A_34 = arith.constant 2048 : index
      %get3A_35 = vector.load %arg9[%get3A_33, %get3A_34] : memref<1024x4096xbf16, #tpu.memory_space<vmem>>, vector<1024x2048xbf16>
      %dot_general3A_36 = arith.constant dense<0.000000e+00> : vector<256x1024xf32>
      %dot_general3A_37 = tpu.matmul %get3A_32, %get3A_35, %dot_general3A_36 {dimension_numbers = #tpu.dot_dimension_numbers<[1], [1], [0], [0], [0, 0, 1, 0], [], []>, transpose_lhs_hint = false} : vector<256x2048xbf16>, vector<1024x2048xbf16>, vector<256x1024xf32> -> vector<256x1024xf32>
      %add3A = arith.addf %dot_general3A_26, %dot_general3A_37 : vector<256x1024xf32>
      %get3A_38 = arith.constant 0 : index
      %get3A_39 = arith.constant 0 : index
      %get3A_40 = arith.constant 0 : index
      %get3A_41 = vector.load %arg4[%get3A_38, %get3A_39, %get3A_40] : memref<1x1x256xf32, #tpu.memory_space<vmem>>, vector<1x1x256xf32>
      %get3A_42 = vector.shape_cast %get3A_41 : vector<1x1x256xf32> to vector<256xf32>
      %broadcast_in_dim3A = vector.shape_cast %get3A_42 : vector<256xf32> to vector<256x1xf32>
      %mul3A = vector.broadcast %broadcast_in_dim3A : vector<256x1xf32> to vector<256x1024xf32>
      %mul3A_43 = arith.mulf %add3A, %mul3A : vector<256x1024xf32>
      %get3A_44 = arith.constant 0 : index
      %get3A_45 = arith.constant 0 : index
      %get3A_46 = arith.constant 0 : index
      %get3A_47 = vector.load %arg3[%get3A_44, %get3A_45, %get3A_46] : memref<1x1x256xi32, #tpu.memory_space<vmem>>, vector<1x1x256xi32>
      %get3A_48 = vector.shape_cast %get3A_47 : vector<1x1x256xi32> to vector<256xi32>
      %iota3A = tpu.iota {dimensions = array<i32: 1>} : vector<256x2048xi32>
      %broadcast_in_dim3A_49 = vector.shape_cast %get3A_48 : vector<256xi32> to vector<256x1xi32>
      %eq3A_50 = vector.broadcast %broadcast_in_dim3A_49 : vector<256x1xi32> to vector<256x2048xi32>
      %eq3A_51 = arith.cmpi eq, %eq3A_50, %iota3A : vector<256x2048xi32>
      %convert_element_type3A_52 = arith.extui %eq3A_51 : vector<256x2048xi1> to vector<256x2048xi32>
      %convert_element_type3A_53 = arith.sitofp %convert_element_type3A_52 : vector<256x2048xi32> to vector<256x2048xf32>
      %get3A_54 = arith.constant 0 : index
      %get3A_55 = arith.constant 0 : index
      %get3A_56 = vector.load %arg8[%get3A_54, %get3A_55] : memref<2048x1024xf32, #tpu.memory_space<vmem>>, vector<2048x1024xf32>
      %dot_general3A_57 = arith.constant dense<0.000000e+00> : vector<2048x1024xf32>
      %dot_general3A_58 = tpu.matmul %convert_element_type3A_53, %mul3A_43, %dot_general3A_57 {dimension_numbers = #tpu.dot_dimension_numbers<[0], [0], [1], [1], [0, 1, 1, 1], [], []>, transpose_lhs_hint = false} : vector<256x2048xf32>, vector<256x1024xf32>, vector<2048x1024xf32> -> vector<2048x1024xf32>
      %add3A_59 = arith.addf %get3A_56, %dot_general3A_58 : vector<2048x1024xf32>
      %swap3A = arith.constant 0 : index
      %swap3A_60 = arith.constant 0 : index
      %swap3A_61 = vector.load %arg8[%swap3A, %swap3A_60] : memref<2048x1024xf32, #tpu.memory_space<vmem>>, vector<2048x1024xf32>
      tpu.vector_store %arg8[%swap3A, %swap3A_60], %add3A_59 {strides = array<i32>} : memref<2048x1024xf32, #tpu.memory_space<vmem>>, vector<2048x1024xf32>,
    } else {
    }
    return
  }
  func.func @transform_0(%arg0: i32, %arg1: memref<24xi32, #tpu.memory_space<smem>>, %arg2: memref<1xi32, #tpu.memory_space<smem>>) -> (i32, i32, i32) {
    %c0_i32 = arith.constant 0 : i32
    %c0_i32_0 = arith.constant 0 : i32
    %c0_i32_1 = arith.constant 0 : i32
    return %arg0, %c0_i32, %c0_i32_0 : i32, i32, i32
  }
  func.func @transform_1(%arg0: i32, %arg1: memref<24xi32, #tpu.memory_space<smem>>, %arg2: memref<1xi32, #tpu.memory_space<smem>>) -> (i32, i32, i32) {
    %c0_i32 = arith.constant 0 : i32
    %c0_i32_0 = arith.constant 0 : i32
    %c0_i32_1 = arith.constant 0 : i32
    return %arg0, %c0_i32, %c0_i32_0 : i32, i32, i32
  }
  func.func @transform_2(%arg0: i32, %arg1: memref<24xi32, #tpu.memory_space<smem>>, %arg2: memref<1xi32, #tpu.memory_space<smem>>) -> (i32, i32, i32, i32) {
    %c0_i32 = arith.constant 0 : i32
    %c0_i32_0 = arith.constant 0 : i32
    %c0_i32_1 = arith.constant 0 : i32
    %c0_i32_2 = arith.constant 0 : i32
    return %c0_i32, %arg0, %c0_i32_0, %c0_i32_1 : i32, i32, i32, i32
  }
  func.func @transform_3(%arg0: i32, %arg1: memref<24xi32, #tpu.memory_space<smem>>, %arg2: memref<1xi32, #tpu.memory_space<smem>>) -> (i32, i32, i32, i32) {
    %c1_i32 = arith.constant 1 : i32
    %c0_i32 = arith.constant 0 : i32
    %c0_i32_0 = arith.constant 0 : i32
    %c0_i32_1 = arith.constant 0 : i32
    return %c1_i32, %arg0, %c0_i32, %c0_i32_0 : i32, i32, i32, i32
  }
  func.func @transform_4(%arg0: i32, %arg1: memref<24xi32, #tpu.memory_space<smem>>, %arg2: memref<1xi32, #tpu.memory_space<smem>>) -> (i32, i32, i32) {
    %get3A = arith.index_cast %arg0 : i32 to index
    %get3A_0 = memref.load %arg1[%get3A] : memref<24xi32, #tpu.memory_space<smem>>
    %c0_i32 = arith.constant 0 : i32
    %c0_i32_1 = arith.constant 0 : i32
    %c0_i32_2 = arith.constant 0 : i32
    return %get3A_0, %c0_i32, %c0_i32_1 : i32, i32, i32
  }
  func.func @transform_5(%arg0: i32, %arg1: memref<24xi32, #tpu.memory_space<smem>>, %arg2: memref<1xi32, #tpu.memory_space<smem>>) -> (i32, i32) {
    %c0_i32 = arith.constant 0 : i32
    %c0_i32_0 = arith.constant 0 : i32
    %c0_i32_1 = arith.constant 0 : i32
    return %c0_i32, %c0_i32_0 : i32, i32
  }
}

</mosaic_0001>

<sc_bundles>
// kernel: gather_offload_async_start.1
scs
__scs_entry_jumppad:
0x0: {  	(pc) =	sbr.rel $0x88, $3  }
0x1: {  	(tag) =	ssettag $0x0;
	lr =	simm.s32 $0x1  }
0x2: {  	[smem:$0x3F9B] =	sst lr;
	_ =	strace $0xD0000000  }
0x3: {  	_ = 	snop  }
0x4: {  	_ = 	snop  }
0x5: {  	_ = 	snop  }
0x6: {  	_ = 	snop  }
0x7: {  	_ = 	snop  }
__scs_overlays_trampoline_lowered:
0x8: {  	[smem:$0x3FAA] =	sst s0  }
0x9: {  	[smem:$0x3FAB] =	sst s1  }
0xa: {  	[smem:$0x3FAC] =	sst s2  }
0xb: {  	[smem:$0x3FAD] =	sst s3  }
0xc: {  	[smem:$0x3FAE] =	sst s4  }
0xd: {  	[smem:$0x3FAF] =	sst s5  }
0xe: {  	[smem:$0x3FB0] =	sst s6  }
0xf: {  	[smem:$0x3FB1] =	sst s7  }
0x10: {  	[smem:$0x3FB2] =	sst s8  }
0x11: {  	[smem:$0x3FB3] =	sst s9;
	s0 =	simm.s32 @!p0 $0x0  }
0x12: {  	s1 =	sld [smem:$0x3F99];
	s0 =	simm.s32 @p0 $0x1  }
0x13: {  	[smem:$0x3FB4] =	sst s0;
	s0 =	simm.s32 @!p1 $0x0  }
0x14: {  	s2 =	sld [smem:$0x3F98];
	s0 =	simm.s32 @p1 $0x1  }
0x15: {  	[smem:$0x3FB5] =	sst s0;
	s0 =	simm.s32 @!p2 $0x0  }
0x16: {  	s3 =	sld [smem:$0x3FDB];
	s0 =	simm.s32 @p2 $0x1  }
0x17: {  	s4 =	simm.s32 $0x1BF5;
	[smem:$0x3FB7] =	sst s0  }
0x18: {  	s0 =	sld [smem:$0x3F9A];
	_ =	swait.ge [sflag:s4], $0x0  }
0x19: {  	s7 =	sld [smem:$0x3F9B]  }
0x1a: {  	s8 =	sadd.s32 $0xFFFFE003, lr  }
0x1b: {  	s9 =	sadd.s32 $0xFFFFFEF7, lr;
	s5 =	simm.s32 $0xFFFFFFFF;
	p2 =	slt.u32 s8, $0xFFFFF086  }
0x1c: {  	p1 =	slt.u32 s9, $0xF7A;
	s5 =	simm.s32 @!p2 $0x0  }
0x1d: {  	s5 =	simm.s32 @p1 $0x1;
	p0 =	seq.s32 s7, s2  }
0x1e: {  	s7 =	smul.u32 @!p0 $0xF7A, s2;
	p2 =	seq.s32 @!p0 s5, $0x0  }
0x1f: {  	s9 =	smul.u32 $0xF7A, s1;
	s8 =	simm.s32 @!p0 $0x1BF5;
	p2 =	por !p2, p0  }
0x20: {  	[sflag:s8] =	ssyncset.s32 @!p0 $0xFFFFF086;
	s6 =	sadd.s32 @!p0 s3, s7;
	s7 =	simm.s32 @!p0 $0x108  }
0x21: {  	s3 =	sadd.s32 s3, s9;
	s6 =	sadd.s32 @!p0 $0x88, s6;
	s7 =	simm.s32 @p2 $0x1082  }
0x22: {  	[simem:s7], [sflag:s8] =	dma.local @!p0 [hbm:s6], $0xF7A  }
0x23: {  	s9 =	sor.u32 $0xD0000000, s2;
	s6 =	simm.s32 $0x108;
	_ =	swait.ge @!p0 [sflag:s8], $0x0  }
0x24: {  	s3 =	sadd.s32 $0x88, s3;
	s6 =	simm.s32 @!p1 $0x1082;
	[sflag:s4] =	ssyncset.s32 $0xFFFFF086  }
0x25: {  	[simem:s6], [sflag:s4] =	dma.local [hbm:s3], $0xF7A  }
0x26: {  	[smem:$0x3F9B] =	sst s1;
	(tag) =	ssettag s2;
	_ =	strace s9  }
0x27: {  	s1 =	sld [smem:$0x3FAB]  }
0x28: {  	s2 =	sld [smem:$0x3FAC]  }
0x29: {  	s4 =	sld [smem:$0x3FAE]  }
0x2a: {  	p0 =	seq.s32 s5, $0x0;
	s5 =	sld [smem:$0x3FAF]  }
0x2b: {  	s6 =	sld [smem:$0x3FB0]  }
0x2c: {  	s7 =	sld [smem:$0x3FB1]  }
0x2d: {  	s3 =	simm.s32 $0x108;
	s8 =	sld [smem:$0x3FB2]  }
0x2e: {  	s3 =	simm.s32 @!p0 $0x1082;
	s9 =	sld [smem:$0x3FB3]  }
0x2f: {  	lr =	sadd.s32 s0, s3;
	s0 =	sld [smem:$0x3FAA]  }
0x30: {  	s3 =	sld [smem:$0x3FAD]  }
0x31: {  	[smem:$0x3FB6] =	sst s10  }
0x32: {  	s10 =	sld [smem:$0x3FB4];
	_ =	sdelay $0x3  }
0x33: {  	p0 =	seq.s32 s10, $0x1;
	s10 =	sld [smem:$0x3FB6];
	_ =	sdelay $0x3  }
0x34: {  	[smem:$0x3FB6] =	sst s10  }
0x35: {  	s10 =	sld [smem:$0x3FB5];
	_ =	sdelay $0x3  }
0x36: {  	p1 =	seq.s32 s10, $0x1;
	s10 =	sld [smem:$0x3FB6];
	_ =	sdelay $0x3  }
0x37: {  	[smem:$0x3FB6] =	sst s10  }
0x38: {  	s10 =	sld [smem:$0x3FB7]  }
0x39: {  	_ = 	snop;
	(pc) =	sbr.ind lr, $3  }
0x3a: {  	_ = 	snop  }
0x3b: {  	_ = 	snop  }
0x3c: {  	p2 =	seq.s32 s10, $0x1;
	s10 =	sld [smem:$0x3FB6]  }
0x3d: {  	_ =	shalt  }
0x3e: {  	_ =	shalt  }
0x3f: {  	_ =	shalt  }
0x40: {  	_ =	shalt  }
0x41: {  	_ =	shalt  }
0x42: {  	_ =	shalt  }
0x43: {  	_ =	shalt  }
0x44: {  	_ =	shalt  }
0x45: {  	_ =	shalt  }
0x46: {  	_ =	shalt  }
0x47: {  	_ =	shalt  }
0x48: {  	_ =	shalt  }
0x49: {  	_ =	shalt  }
0x4a: {  	_ =	shalt  }
0x4b: {  	_ =	shalt  }
0x4c: {  	_ =	shalt  }
0x4d: {  	_ =	shalt  }
0x4e: {  	_ =	shalt  }
0x4f: {  	_ =	shalt  }
0x50: {  	_ =	shalt  }
0x51: {  	_ =	shalt  }
0x52: {  	_ =	shalt  }
0x53: {  	_ =	shalt  }
0x54: {  	_ =	shalt  }
0x55: {  	_ =	shalt  }
0x56: {  	_ =	shalt  }
0x57: {  	_ =	shalt  }
0x58: {  	_ =	shalt  }
0x59: {  	_ =	shalt  }
0x5a: {  	_ =	shalt  }
0x5b: {  	_ =	shalt  }
0x5c: {  	_ =	shalt  }
0x5d: {  	_ =	shalt  }
0x5e: {  	_ =	shalt  }
0x5f: {  	_ =	shalt  }
0x60: {  	_ =	shalt  }
0x61: {  	_ =	shalt  }
0x62: {  	_ =	shalt  }
0x63: {  	_ =	shalt  }
0x64: {  	_ =	shalt  }
0x65: {  	_ =	shalt  }
0x66: {  	_ =	shalt  }
0x67: {  	_ =	shalt  }
0x68: {  	_ =	shalt  }
0x69: {  	_ =	shalt  }
0x6a: {  	_ =	shalt  }
0x6b: {  	_ =	shalt  }
0x6c: {  	_ =	shalt  }
0x6d: {  	_ =	shalt  }
0x6e: {  	_ =	shalt  }
0x6f: {  	_ =	shalt  }
0x70: {  	_ =	shalt  }
0x71: {  	_ =	shalt  }
0x72: {  	_ =	shalt  }
0x73: {  	_ =	shalt  }
0x74: {  	_ =	shalt  }
0x75: {  	_ =	shalt  }
0x76: {  	_ =	shalt  }
0x77: {  	_ =	shalt  }
0x78: {  	_ =	shalt  }
0x79: {  	_ =	shalt  }
0x7a: {  	_ =	shalt  }
0x7b: {  	_ =	shalt  }
0x7c: {  	_ =	shalt  }
0x7d: {  	_ =	shalt  }
0x7e: {  	_ =	shalt  }
0x7f: {  	_ =	shalt  }
0x80: {  	_ =	shalt  }
0x81: {  	_ =	shalt  }
0x82: {  	_ =	shalt  }
0x83: {  	_ =	shalt  }
0x84: {  	_ =	shalt  }
0x85: {  	_ =	shalt  }
0x86: {  	_ =	shalt  }
0x87: {  	_ =	shalt  }
.Lfunc_end0:
.L_simem_size_0:
called_computation.2_lowered:
.L_overlay_start_0:
0x88: {  	s2 =	sld [smem:$0x3FD9]  }
0x89: {  	s3 =	sld [smem:$0x3FFE];
	_ =	sdelay $0x1  }
0x8a: {  	s1 =	srdreg.scid  }
0x8b: {  	s0 =	sand.u32 $0x1, s1  }
0x8c: {  	s14 =	sshll.u32 s0, $0xA;
	s2 =	sadd.s32 s3, s2  }
0x8d: {  	s2 =	sadd.s32 s2, s14  }
0x8e: {  	[smem:$0x3FC2] =	sst s2  }
0x8f: {  	_ = 	snop  }
0x90: {  	s2 =	sld [smem:$0x3FD0];
	_ =	sdelay $0x2  }
0x91: {  	s15 =	simm.s32 $0xA;
	s4 =	simm.s32 $0x10  }
0x92: {  	[smem:s4], [sflag:s15] =	dma.local [hbm:s2], $0x1  }
0x93: {  	_ =	swait.eq [sflag:s15], $0x1  }
0x94: {  	[sflag:s15] =	ssyncset.done $0x0  }
0x95: {  	[sflag:s15] =	ssyncadd.s32 $0xFFFFFFFF  }
0x96: {  	s16 =	sld [smem:$0x10];
	(tm) =	ssettm $0x1  }
0x97: {  	s17 =	sld [smem:$0x3FFB];
	_ =	sdelay $0x3  }
0x98: {  	_ =	strace s17  }
0x99: {  	s3 =	sld [smem:$0x3FFC];
	_ =	sdelay $0x3  }
0x9a: {  	_ =	strace s3  }
0x9b: {  	s3 =	sld [smem:$0x3FFD];
	_ =	sdelay $0x3  }
0x9c: {  	_ =	strace s3  }
0x9d: {  	_ =	strace $0x8FFFFFFF  }
0x9e: {  	s18 =	sld [smem:$0x3FDB];
	_ =	sdelay $0x1  }
0x9f: {  	s19 =	simm.s32 $_scs_section_size  }
0xa0: {  	s5 =	simm.s32 $_size__tile_overlayer_lowered;
	s6 =	simm.s32 $_tile_overlayer_lowered  }
0xa1: {  	s22 =	simm.s32 $0x1BFF;
	s21 =	sshll.u32 s6, $0x1;
	s3 =	sadd.s32 s19, s18  }
0xa2: {  	s7 =	simm.s32 $0x0;
	s20 =	sshll.u32 s5, $0x1;
	s5 =	sadd.s32 s21, s3  }
0xa3: {  	[timem:s7], [sflag:s22] =	dma.local [hbm:s5], s20  }
0xa4: {  	_ =	swait.ge [sflag:s22], s20  }
0xa5: {  	s4 =	ssub.s32 $0x0, s20;
	[sflag:s22] =	ssyncset.done $0x0  }
0xa6: {  	[sflag:s22] =	ssyncadd.s32 s4;
	_ =	sdelay $0x1  }
0xa7: {  	s23 =	simm.s32 $0x1B8B  }
0xa8: {  	_ =	swait.ge [sflag:s23], $0x1  }
0xa9: {  	[sflag:s23] =	ssyncset.done $0x0  }
0xaa: {  	s25 =	simm.s32 $0x1B8E;
	s24 =	sld [smem:$0x3FFE];
	[sflag:s23] =	ssyncadd.s32 $0xFFFFFFFF  }
0xab: {  	s26 =	simm.s32 $execute0_lowered;
	[smem:$0x3FD2] =	sst s25  }
0xac: {  	s5 =	sshll.u32 s26, $0x1;
	_ =	strace $0x8000004C;
	[dreg:$0x1] =	wrdreg $0xFFFFFFFF  }
0xad: {  	s28 =	simm.s32 $_size_execute0_lowered;
	s3 =	sadd.s32 s3, s5;
	[dreg:$0x0] =	wrdreg $0x0  }
0xae: {  	s5 =	sshll.u32 s28, $0x1;
	[dreg:$0x2] =	wrdreg s3  }
0xaf: {  	[dreg:$0x3] =	wrdreg s5  }
0xb0: {  	[dreg:$0x4] =	wrdreg $0xC0  }
0xb1: {  	_ =	task [dreg:s7], $0x5FFFF  }
0xb2: {  	[dreg:$0x1] =	wrdreg $0xFFFFFFFF  }
0xb3: {  	[dreg:$0x0] =	wrdreg $0x60  }
0xb4: {  	[dreg:$0x2] =	wrdreg s24  }
0xb5: {  	[dreg:$0x3] =	wrdreg s16  }
0xb6: {  	[dreg:$0x4] =	wrdreg $0x9  }
0xb7: {  	_ =	task.clear_ibuf [dreg:s7], $0x5FFFF;
	_ =	strace $0x9000004C  }
0xb8: {  	s29 =	simm.s32 $0x9;
	_ =	strace $0x8000004E  }
0xb9: {  	_ =	swait.ge [sflag:s29], $0x1  }
0xba: {  	[sflag:s29] =	ssyncadd.s32 $0xFFFFFFFF  }
0xbb: {  	_ =	strace $0x9000004E  }
0xbc: {  	_ =	sfence  }
0xbd: {  	s30 =	sld [smem:$0x0];
	_ =	sdelay $0x2  }
0xbe: {  	s31 =	sshll.u32 s1, $0xD;
	s1 =	sshrl.u32 s1, $0x2  }
0xbf: {  	s3 =	sand.u32 $0x4000, s31;
	s1 =	sadd.s32 s1, s30  }
0xc0: {  	s0 =	sor.u32 s3, s0;
	s1 =	sshll.u32 s1, $0x11  }
0xc1: {  	s0 =	sor.u32 s1, s0  }
0xc2: {  	s0 =	sadd.s32 $0x8F2B, s0  }
0xc3: {  	[sflag:s0] =	ssyncadd.remote.s32 $0x1  }
0xc4: {  	_ =	sfence.sel $0xFFFF  }
0xc5: {  	[dreg:$0x0] =	wrdreg $0xFFFFFFFF;
	(pc) =	sbr.abs _section_cstart, $3  }
0xc6: {  	[dreg:$0x1] =	wrdreg $0xFFFFFFFF  }
0xc7: {  	_ =	task.clear_ibuf [dreg:s7], $0x2FFFF;
	_ =	strace $0x9FFFFFFF  }
0xc8: {  	(tm) =	ssettm $0x7FFFFFFF  }
0xc9: {  	_ =	shalt  }
tec
execute0_lowered:
.L_overlay_start_1:
0x0: {  	(tag) =	ssettag $0x1  }
0x1: {  	s1 =	srdreg.scid;
	s2 =	rddreg [dreg:$0x0]  }
0x2: {  	s0 =	stileid.u32;
	s3 =	rddreg [dreg:$0x1]  }
0x3: {  	s6 =	simm.s32 $0x1;
	s9 =	simm.s32 $0x1;
	s1 =	sshll.u32 s1, $0x6  }
0x4: {  	s10 =	simm.s32 $0x3;
	s4 =	sshll.u32 s0, $0x7;
	s5 =	sand.u32 $0x40, s1  }
0x5: {  	s13 =	simm.s32 $0x0;
	s12 =	simm.s32 $0x0;
	s4 =	sor.u32 s4, s5  }
0x6: {  	s1 =	rddreg [dreg:$0x2];
	_ =	strace $0x8000004D;
	s8 =	ssub.s32 $0x1000, s4  }
.Ltmp0:
0x7: {  	s5 =	sadd.s32 $0xA00, s2;
	s7 =	sand.u32 $0x7C0, s8;
	(pc) =	sbr.rel .LBB2_1-.Ltmp0, $4  }
0x8: {  	[sflag:s6] =	ssyncpa.u1 $0x0;
	s11 =	smov.u32 s4;
	p0 =	sne.s32 s7, $0x0  }
0x9: {  	s8 =	sshrl.u32 s8, $0xB;
	s7 =	simm.s32 $0x2;
	s9 =	simm.s32 @!p0 $0x0  }
0xa: {  	[sflag:s7] =	ssyncpa.u1 $0x0;
	p0 =	por $0x0, $0x0;
	s8 =	sadd.s32 s9, s8  }
0xb: {  	vm0 =	vmmov $0xffff;
	[sflag:s10] =	ssyncpa.u1 $0x0;
	s10 =	simm.s32 $0x0;
	s9 =	sadd.s32 $0x1, s8  }
.LBB2_4:
0xc: {  	v2 =	vnsel vm1, $0x0, v2  }
0xd: {  	vm1 =	vgt.s32 v0, $0x0;
	v2 =	vmin.u32 v2, $0xFFF  }
0xe: {  	v0 =	vnsel vm1, $0x0, v0  }
0xf: {  	v0 =	vmin.u32 v0, $0xFFF  }
0x10: {  	[tilespmem:s15], [sflag:$0x1] =	stream.indirect_vreg.gather [hbm4b:s2+s10], $0x1, v1, vm0, $0x4038;
	[tilespmem:$0x100] =	vst v63  }
0x11: {  	(ifvalue) =	ssetifvalue $0x7FFFFFFF  }
0x12: {  	[tilespmem:s16], [sflag:$0x1] =	stream.indirect_vreg.gather [hbm4b:s2+s10], $0x1, v2, vm0, $0x4038;
	[tilespmem:$0x100] =	vst v63  }
0x13: {  	s29 =	sadd.s32 $0x10, s16;
	(ifvalue) =	ssetifvalue $0x7FFFFFFF  }
0x14: {  	[tilespmem:s29], [sflag:$0x1] =	stream.indirect_vreg.gather [hbm4b:s2+s10], $0x1, v0, vm0, $0x4038;
	[tilespmem:$0x100] =	vst v63  }
0x15: {  	_ =	swait.ge [sflag:s6], $0x40  }
0x16: {  	s30 =	sshrl.u32 s13, $0x3;
	[sflag:s6] =	ssyncset.done $0x0  }
0x17: {  	s31 =	sand.u32 $0x7, s13;
	s15 =	sadd.s32 s3, s30;
	[sflag:s6] =	ssyncadd.s32 $0xFFFFFFC0  }
0x18: {  	[hbm4b:s15+s31] =	stream.linear.scatter [tilespmem:s14], [sflag:$0x3], $0x40, $0x38;
	[tilespmem:$0x100] =	vst v63  }
.LBB2_5:
0x19: {  	s15 =	sadd.s32 $0x800, s11  }
0x1a: {  	p2 =	sgt.s32 s15, $0xFFF  }
0x1b: {  	s15 =	smov.u32 @p2 s4;
	p2 =	sne.s32 s12, s9  }
.Ltmp1:
0x1c: {  	p1 =	slt.u32 s12, $0x2;
	(pc) =	sbr.rel @!p2 .LBB2_6-.Ltmp1, $4  }
0x1d: {  	s14 =	simm.s32 @!p1 $0x3  }
0x1e: {  	s16 =	sadd.s32 $0x1, s12;
	_ =	swait.ge @!p1 [sflag:s14], $0x40  }
0x1f: {  	s13 =	smov.u32 s11;
	p0 =	por !p0, !p0;
	[sflag:s14] =	ssyncset.done @!p1 $0x0  }
0x20: {  	s12 =	smov.u32 s16;
	s11 =	smov.u32 s15;
	[sflag:s14] =	ssyncadd.s32 @!p1 $0xFFFFFFC0  }
.LBB2_1:
0x21: {  	p1 =	sge.u32 s12, s8  }
0x22: {  	s14 =	sxor.u32 @!p1 $0xFFFFFFFF, s12  }
0x23: {  	s31 =	sadd.s32 $0xFFFFFFFF, s12;
	s15 =	sshrl.u32 @!p1 s11, $0x3;
	s14 =	sshll.u32 @!p1 s14, $0x6  }
0x24: {  	s16 =	sand.u32 @!p1 $0x7, s11;
	s15 =	sadd.s32 @!p1 s5, s15;
	s14 =	sand.u32 @!p1 $0x40, s14  }
0x25: {  	[tilespmem:s14], [sflag:$0x2] =	stream.linear.gather @!p1 [hbm4b:s15+s16], $0x40, $0x38;
	[tilespmem:$0x100] =	vst v63  }
0x26: {  	p1 =	sge.u32 s31, s8  }
.Ltmp2:
0x27: {  	_ = 	snop;
	(pc) =	sbr.rel @p1 .LBB2_5-.Ltmp2, $1  }
0x28: {  	_ =	sdelay $0x3  }
0x29: {  	s14 =	simm.s32 $0x1  }
0x2a: {  	_ =	swait.ge [sflag:s7], $0x40;
	s14 =	simm.s32 @!p0 $0x0  }
0x2b: {  	[sflag:s7] =	ssyncset.done $0x0;
	s14 =	sshll.u32 s14, $0x6  }
0x2c: {  	[sflag:s7] =	ssyncadd.s32 $0xFFFFFFC0;
	(ifvalue) =	ssetifvalue $0x7FFFFFFF;
	v0 =	vld.msk [tilespmem:s14+$0x0 ss:$0x1], $0xffff;
	_ =	sdelay $0x4  }
0x2d: {  	s15 =	sadd.s32 $0x10, s14;
	vm1 =	vgt.s32 v0, $0x0  }
0x2e: {  	v2 =	vld.msk [tilespmem:s15+$0x0 ss:$0x1], $0xffff;
	v1 =	vnsel vm1, $0x0, v0  }
0x2f: {  	v1 =	vmin.u32 v1, $0xFFF;
	_ =	sdelay $0x1  }
0x30: {  	s16 =	sshll.u32 s12, $0x6;
	s18 =	simm.s32 $0x20  }
0x31: {  	s16 =	sand.u32 $0x40, s16;
	s17 =	sadd.s32 $0x10, s15;
	s15 =	sor.u32 $0x80, s14  }
0x32: {  	s14 =	sor.u32 $0x80, s16;
	s16 =	sadd.s32 $0x10, s15;
	v0 =	vld.msk [tilespmem:s17+$0x0 ss:$0x1], $0xffff;
	vm1 =	vgt.s32 v2, $0x0;
	(ifvalue) =	ssetifvalue $0x7FFFFFFF  }
.LBB2_3:
0x33: {  	[tilespmem:s15], [sflag:$0x1] =	stream.indirect_vreg.gather [hbm4b:s2+s10], $0x1, v1, vm0, $0x4038;
	[tilespmem:$0x100] =	vst v63  }
0x34: {  	s18 =	sadd.s32 $0x10, s18  }
0x35: {  	v2 =	vnsel vm1, $0x0, v2;
	p1 =	slt.u32 s18, $0x30  }
.Ltmp3:
0x36: {  	s15 =	smov.u32 s16;
	v1 =	vmin.u32 v2, $0xFFF;
	(pc) =	sbr.rel @p1 .LBB2_3-.Ltmp3, $3  }
0x37: {  	_ =	sdelay $0x1  }
0x38: {  	s17 =	sadd.s32 $0x10, s17  }
0x39: {  	vm1 =	vgt.s32 v0, $0x0;
	s16 =	sadd.s32 $0x10, s16;
	v2 =	vmov v0;
	(ifvalue) =	ssetifvalue $0x7FFFFFFF;
	v0 =	vld.msk [tilespmem:s17+$0x0 ss:$0x1], $0xffff  }
.Ltmp4:
0x3a: {  	_ = 	snop;
	(pc) =	sbr.rel .LBB2_4-.Ltmp4, $1  }
0x3b: {  	_ =	sdelay $0x3  }
.LBB2_6:
0x3c: {  	_ =	sfence.sel $0x180000  }
0x3d: {  	s2 =	simm.s32 $0x2;
	[bflag:$0x0] =	sbarrier.arrive $0xFFFF  }
0x3e: {  	s30 =	simm.s32 $0x3;
	[sflag:s2] =	ssyncpa.u1 $0x1  }
0x3f: {  	s31 =	simm.s32 $0x1;
	[sflag:s30] =	ssyncpa.u1 $0x1  }
0x40: {  	[sflag:s31] =	ssyncpa.u1 $0x1  }
0x41: {  	p0 =	sne.s32 s0, $0x0;
	_ =	strace $0x9000004D  }
0x42: {  	s0 =	sadd.s32 @!p0 $0x100000, s1;
	[bflag:$0x2] =	sbarrier.arrive $0xFFFF  }
0x43: {  	[sflag:s0] =	ssyncadd.tile.s32 @!p0 $0x1;
	_ =	shalt  }
.Lfunc_end2:
_tile_overlayer_lowered:
.L_overlay_start_2:
0x44: {  	(tag) =	ssettag $0x2  }
0x45: {  	s0 =	rddreg [dreg:$0x0];
	s2 =	stileid.u32  }
0x46: {  	s1 =	rddreg [dreg:$0x1];
	p0 =	sne.s32 s2, $0x0  }
0x47: {  	s3 =	rddreg [dreg:$0x2];
	[bflag:$0x3] =	sbarrier.arrive $0xFFFF;
	s2 =	simm.s32 @!p0 $0x1C01  }
0x48: {  	[timem:s3], [sflag:s2] =	dma.local @!p0 [hbm:s0], s1  }
0x49: {  	s0 =	simm.s32 @!p0 $0x1  }
0x4a: {  	_ =	swait.ge @!p0 [sflag:s0], s1  }
0x4b: {  	s1 =	ssub.s32 @!p0 $0x0, s1;
	[sflag:s0] =	ssyncset.done @!p0 $0x0  }
0x4c: {  	[sflag:s0] =	ssyncadd.s32 @!p0 s1  }
0x4d: {  	[bflag:$0x3] =	sbarrier.arrive $0xFFFF  }
0x4e: {  	_ =	shalt  }

// kernel: gather_offload_async_start.2
scs
__scs_entry_jumppad:
0x0: {  	(pc) =	sbr.rel $0x88, $3  }
0x1: {  	(tag) =	ssettag $0x0;
	lr =	simm.s32 $0x1  }
0x2: {  	[smem:$0x3F9B] =	sst lr;
	_ =	strace $0xD0000000  }
0x3: {  	_ = 	snop  }
0x4: {  	_ = 	snop  }
0x5: {  	_ = 	snop  }
0x6: {  	_ = 	snop  }
0x7: {  	_ = 	snop  }
__scs_overlays_trampoline_lowered:
0x8: {  	[smem:$0x3FAA] =	sst s0  }
0x9: {  	[smem:$0x3FAB] =	sst s1  }
0xa: {  	[smem:$0x3FAC] =	sst s2  }
0xb: {  	[smem:$0x3FAD] =	sst s3  }
0xc: {  	[smem:$0x3FAE] =	sst s4  }
0xd: {  	[smem:$0x3FAF] =	sst s5  }
0xe: {  	[smem:$0x3FB0] =	sst s6  }
0xf: {  	[smem:$0x3FB1] =	sst s7  }
0x10: {  	[smem:$0x3FB2] =	sst s8  }
0x11: {  	[smem:$0x3FB3] =	sst s9;
	s0 =	simm.s32 @!p0 $0x0  }
0x12: {  	s1 =	sld [smem:$0x3F99];
	s0 =	simm.s32 @p0 $0x1  }
0x13: {  	[smem:$0x3FB4] =	sst s0;
	s0 =	simm.s32 @!p1 $0x0  }
0x14: {  	s2 =	sld [smem:$0x3F98];
	s0 =	simm.s32 @p1 $0x1  }
0x15: {  	[smem:$0x3FB5] =	sst s0;
	s0 =	simm.s32 @!p2 $0x0  }
0x16: {  	s3 =	sld [smem:$0x3FDB];
	s0 =	simm.s32 @p2 $0x1  }
0x17: {  	s4 =	simm.s32 $0x1BF5;
	[smem:$0x3FB7] =	sst s0  }
0x18: {  	s0 =	sld [smem:$0x3F9A];
	_ =	swait.ge [sflag:s4], $0x0  }
0x19: {  	s7 =	sld [smem:$0x3F9B]  }
0x1a: {  	s8 =	sadd.s32 $0xFFFFE003, lr  }
0x1b: {  	s9 =	sadd.s32 $0xFFFFFEF7, lr;
	s5 =	simm.s32 $0xFFFFFFFF;
	p2 =	slt.u32 s8, $0xFFFFF086  }
0x1c: {  	p1 =	slt.u32 s9, $0xF7A;
	s5 =	simm.s32 @!p2 $0x0  }
0x1d: {  	s5 =	simm.s32 @p1 $0x1;
	p0 =	seq.s32 s7, s2  }
0x1e: {  	s7 =	smul.u32 @!p0 $0xF7A, s2;
	p2 =	seq.s32 @!p0 s5, $0x0  }
0x1f: {  	s9 =	smul.u32 $0xF7A, s1;
	s8 =	simm.s32 @!p0 $0x1BF5;
	p2 =	por !p2, p0  }
0x20: {  	[sflag:s8] =	ssyncset.s32 @!p0 $0xFFFFF086;
	s6 =	sadd.s32 @!p0 s3, s7;
	s7 =	simm.s32 @!p0 $0x108  }
0x21: {  	s3 =	sadd.s32 s3, s9;
	s6 =	sadd.s32 @!p0 $0x88, s6;
	s7 =	simm.s32 @p2 $0x1082  }
0x22: {  	[simem:s7], [sflag:s8] =	dma.local @!p0 [hbm:s6], $0xF7A  }
0x23: {  	s9 =	sor.u32 $0xD0000000, s2;
	s6 =	simm.s32 $0x108;
	_ =	swait.ge @!p0 [sflag:s8], $0x0  }
0x24: {  	s3 =	sadd.s32 $0x88, s3;
	s6 =	simm.s32 @!p1 $0x1082;
	[sflag:s4] =	ssyncset.s32 $0xFFFFF086  }
0x25: {  	[simem:s6], [sflag:s4] =	dma.local [hbm:s3], $0xF7A  }
0x26: {  	[smem:$0x3F9B] =	sst s1;
	(tag) =	ssettag s2;
	_ =	strace s9  }
0x27: {  	s1 =	sld [smem:$0x3FAB]  }
0x28: {  	s2 =	sld [smem:$0x3FAC]  }
0x29: {  	s4 =	sld [smem:$0x3FAE]  }
0x2a: {  	p0 =	seq.s32 s5, $0x0;
	s5 =	sld [smem:$0x3FAF]  }
0x2b: {  	s6 =	sld [smem:$0x3FB0]  }
0x2c: {  	s7 =	sld [smem:$0x3FB1]  }
0x2d: {  	s3 =	simm.s32 $0x108;
	s8 =	sld [smem:$0x3FB2]  }
0x2e: {  	s3 =	simm.s32 @!p0 $0x1082;
	s9 =	sld [smem:$0x3FB3]  }
0x2f: {  	lr =	sadd.s32 s0, s3;
	s0 =	sld [smem:$0x3FAA]  }
0x30: {  	s3 =	sld [smem:$0x3FAD]  }
0x31: {  	[smem:$0x3FB6] =	sst s10  }
0x32: {  	s10 =	sld [smem:$0x3FB4];
	_ =	sdelay $0x3  }
0x33: {  	p0 =	seq.s32 s10, $0x1;
	s10 =	sld [smem:$0x3FB6];
	_ =	sdelay $0x3  }
0x34: {  	[smem:$0x3FB6] =	sst s10  }
0x35: {  	s10 =	sld [smem:$0x3FB5];
	_ =	sdelay $0x3  }
0x36: {  	p1 =	seq.s32 s10, $0x1;
	s10 =	sld [smem:$0x3FB6];
	_ =	sdelay $0x3  }
0x37: {  	[smem:$0x3FB6] =	sst s10  }
0x38: {  	s10 =	sld [smem:$0x3FB7]  }
0x39: {  	_ = 	snop;
	(pc) =	sbr.ind lr, $3  }
0x3a: {  	_ = 	snop  }
0x3b: {  	_ = 	snop  }
0x3c: {  	p2 =	seq.s32 s10, $0x1;
	s10 =	sld [smem:$0x3FB6]  }
0x3d: {  	_ =	shalt  }
0x3e: {  	_ =	shalt  }
0x3f: {  	_ =	shalt  }
0x40: {  	_ =	shalt  }
0x41: {  	_ =	shalt  }
0x42: {  	_ =	shalt  }
0x43: {  	_ =	shalt  }
0x44: {  	_ =	shalt  }
0x45: {  	_ =	shalt  }
0x46: {  	_ =	shalt  }
0x47: {  	_ =	shalt  }
0x48: {  	_ =	shalt  }
0x49: {  	_ =	shalt  }
0x4a: {  	_ =	shalt  }
0x4b: {  	_ =	shalt  }
0x4c: {  	_ =	shalt  }
0x4d: {  	_ =	shalt  }
0x4e: {  	_ =	shalt  }
0x4f: {  	_ =	shalt  }
0x50: {  	_ =	shalt  }
0x51: {  	_ =	shalt  }
0x52: {  	_ =	shalt  }
0x53: {  	_ =	shalt  }
0x54: {  	_ =	shalt  }
0x55: {  	_ =	shalt  }
0x56: {  	_ =	shalt  }
0x57: {  	_ =	shalt  }
0x58: {  	_ =	shalt  }
0x59: {  	_ =	shalt  }
0x5a: {  	_ =	shalt  }
0x5b: {  	_ =	shalt  }
0x5c: {  	_ =	shalt  }
0x5d: {  	_ =	shalt  }
0x5e: {  	_ =	shalt  }
0x5f: {  	_ =	shalt  }
0x60: {  	_ =	shalt  }
0x61: {  	_ =	shalt  }
0x62: {  	_ =	shalt  }
0x63: {  	_ =	shalt  }
0x64: {  	_ =	shalt  }
0x65: {  	_ =	shalt  }
0x66: {  	_ =	shalt  }
0x67: {  	_ =	shalt  }
0x68: {  	_ =	shalt  }
0x69: {  	_ =	shalt  }
0x6a: {  	_ =	shalt  }
0x6b: {  	_ =	shalt  }
0x6c: {  	_ =	shalt  }
0x6d: {  	_ =	shalt  }
0x6e: {  	_ =	shalt  }
0x6f: {  	_ =	shalt  }
0x70: {  	_ =	shalt  }
0x71: {  	_ =	shalt  }
0x72: {  	_ =	shalt  }
0x73: {  	_ =	shalt  }
0x74: {  	_ =	shalt  }
0x75: {  	_ =	shalt  }
0x76: {  	_ =	shalt  }
0x77: {  	_ =	shalt  }
0x78: {  	_ =	shalt  }
0x79: {  	_ =	shalt  }
0x7a: {  	_ =	shalt  }
0x7b: {  	_ =	shalt  }
0x7c: {  	_ =	shalt  }
0x7d: {  	_ =	shalt  }
0x7e: {  	_ =	shalt  }
0x7f: {  	_ =	shalt  }
0x80: {  	_ =	shalt  }
0x81: {  	_ =	shalt  }
0x82: {  	_ =	shalt  }
0x83: {  	_ =	shalt  }
0x84: {  	_ =	shalt  }
0x85: {  	_ =	shalt  }
0x86: {  	_ =	shalt  }
0x87: {  	_ =	shalt  }
.Lfunc_end0:
.L_simem_size_0:
called_computation.3_lowered:
.L_overlay_start_0:
0x88: {  	s2 =	sld [smem:$0x3FD9]  }
0x89: {  	s3 =	sld [smem:$0x3FFE];
	_ =	sdelay $0x1  }
0x8a: {  	s1 =	srdreg.scid  }
0x8b: {  	s0 =	sand.u32 $0x1, s1  }
0x8c: {  	s14 =	sshll.u32 s0, $0xA;
	s2 =	sadd.s32 s3, s2  }
0x8d: {  	s2 =	sadd.s32 s2, s14  }
0x8e: {  	[smem:$0x3FC2] =	sst s2  }
0x8f: {  	_ = 	snop  }
0x90: {  	s2 =	sld [smem:$0x3FD0];
	_ =	sdelay $0x2  }
0x91: {  	s15 =	simm.s32 $0xA;
	s4 =	simm.s32 $0x10  }
0x92: {  	[smem:s4], [sflag:s15] =	dma.local [hbm:s2], $0x1  }
0x93: {  	_ =	swait.eq [sflag:s15], $0x1  }
0x94: {  	[sflag:s15] =	ssyncset.done $0x0  }
0x95: {  	[sflag:s15] =	ssyncadd.s32 $0xFFFFFFFF  }
0x96: {  	s16 =	sld [smem:$0x10];
	(tm) =	ssettm $0x1  }
0x97: {  	s17 =	sld [smem:$0x3FFB];
	_ =	sdelay $0x3  }
0x98: {  	_ =	strace s17  }
0x99: {  	s3 =	sld [smem:$0x3FFC];
	_ =	sdelay $0x3  }
0x9a: {  	_ =	strace s3  }
0x9b: {  	s3 =	sld [smem:$0x3FFD];
	_ =	sdelay $0x3  }
0x9c: {  	_ =	strace s3  }
0x9d: {  	_ =	strace $0x8FFFFFFF  }
0x9e: {  	s18 =	sld [smem:$0x3FDB];
	_ =	sdelay $0x1  }
0x9f: {  	s19 =	simm.s32 $_scs_section_size  }
0xa0: {  	s5 =	simm.s32 $_size__tile_overlayer_lowered;
	s6 =	simm.s32 $_tile_overlayer_lowered  }
0xa1: {  	s22 =	simm.s32 $0x1BFF;
	s21 =	sshll.u32 s6, $0x1;
	s3 =	sadd.s32 s19, s18  }
0xa2: {  	s7 =	simm.s32 $0x0;
	s20 =	sshll.u32 s5, $0x1;
	s5 =	sadd.s32 s21, s3  }
0xa3: {  	[timem:s7], [sflag:s22] =	dma.local [hbm:s5], s20  }
0xa4: {  	_ =	swait.ge [sflag:s22], s20  }
0xa5: {  	s4 =	ssub.s32 $0x0, s20;
	[sflag:s22] =	ssyncset.done $0x0  }
0xa6: {  	[sflag:s22] =	ssyncadd.s32 s4;
	_ =	sdelay $0x1  }
0xa7: {  	s23 =	simm.s32 $0x1B8B  }
0xa8: {  	_ =	swait.ge [sflag:s23], $0x1  }
0xa9: {  	[sflag:s23] =	ssyncset.done $0x0  }
0xaa: {  	s25 =	simm.s32 $0x1B8E;
	s24 =	sld [smem:$0x3FFE];
	[sflag:s23] =	ssyncadd.s32 $0xFFFFFFFF  }
0xab: {  	s26 =	simm.s32 $execute0_lowered;
	[smem:$0x3FD2] =	sst s25  }
0xac: {  	s5 =	sshll.u32 s26, $0x1;
	_ =	strace $0x8000004F;
	[dreg:$0x1] =	wrdreg $0xFFFFFFFF  }
0xad: {  	s28 =	simm.s32 $_size_execute0_lowered;
	s3 =	sadd.s32 s3, s5;
	[dreg:$0x0] =	wrdreg $0x0  }
0xae: {  	s5 =	sshll.u32 s28, $0x1;
	[dreg:$0x2] =	wrdreg s3  }
0xaf: {  	[dreg:$0x3] =	wrdreg s5  }
0xb0: {  	[dreg:$0x4] =	wrdreg $0xC0  }
0xb1: {  	_ =	task [dreg:s7], $0x5FFFF  }
0xb2: {  	[dreg:$0x1] =	wrdreg $0xFFFFFFFF  }
0xb3: {  	[dreg:$0x0] =	wrdreg $0x60  }
0xb4: {  	[dreg:$0x2] =	wrdreg s24  }
0xb5: {  	[dreg:$0x3] =	wrdreg s16  }
0xb6: {  	[dreg:$0x4] =	wrdreg $0x9  }
0xb7: {  	_ =	task.clear_ibuf [dreg:s7], $0x5FFFF;
	_ =	strace $0x9000004F  }
0xb8: {  	s29 =	simm.s32 $0x9;
	_ =	strace $0x80000051  }
0xb9: {  	_ =	swait.ge [sflag:s29], $0x1  }
0xba: {  	[sflag:s29] =	ssyncadd.s32 $0xFFFFFFFF  }
0xbb: {  	_ =	strace $0x90000051  }
0xbc: {  	_ =	sfence  }
0xbd: {  	s30 =	sld [smem:$0x0];
	_ =	sdelay $0x2  }
0xbe: {  	s31 =	sshll.u32 s1, $0xD;
	s1 =	sshrl.u32 s1, $0x2  }
0xbf: {  	s3 =	sand.u32 $0x4000, s31;
	s1 =	sadd.s32 s1, s30  }
0xc0: {  	s0 =	sor.u32 s3, s0;
	s1 =	sshll.u32 s1, $0x11  }
0xc1: {  	s0 =	sor.u32 s1, s0  }
0xc2: {  	s0 =	sadd.s32 $0x8F2B, s0  }
0xc3: {  	[sflag:s0] =	ssyncadd.remote.s32 $0x1  }
0xc4: {  	_ =	sfence.sel $0xFFFF  }
0xc5: {  	[dreg:$0x0] =	wrdreg $0xFFFFFFFF;
	(pc) =	sbr.abs _section_cstart, $3  }
0xc6: {  	[dreg:$0x1] =	wrdreg $0xFFFFFFFF  }
0xc7: {  	_ =	task.clear_ibuf [dreg:s7], $0x2FFFF;
	_ =	strace $0x9FFFFFFF  }
0xc8: {  	(tm) =	ssettm $0x7FFFFFFF  }
0xc9: {  	_ =	shalt  }
tec
execute0_lowered:
.L_overlay_start_1:
0x0: {  	(tag) =	ssettag $0x1  }
0x1: {  	s1 =	srdreg.scid;
	s5 =	rddreg [dreg:$0x0]  }
0x2: {  	s0 =	stileid.u32;
	s2 =	rddreg [dreg:$0x1];
	s6 =	simm.s32 $0x1  }
0x3: {  	s9 =	simm.s32 $0x1;
	s10 =	simm.s32 $0x3;
	s1 =	sshll.u32 s1, $0x6  }
0x4: {  	s13 =	simm.s32 $0x0;
	s3 =	sshll.u32 s0, $0x7;
	s4 =	sand.u32 $0x40, s1  }
0x5: {  	s12 =	simm.s32 $0x0;
	s1 =	rddreg [dreg:$0x2];
	s3 =	sor.u32 s3, s4  }
0x6: {  	_ =	strace $0x80000050;
	s4 =	sadd.s32 $0x200, s5;
	s8 =	ssub.s32 $0x1000, s3  }
.Ltmp0:
0x7: {  	s5 =	sadd.s32 $0xA00, s5;
	s7 =	sand.u32 $0x7C0, s8;
	(pc) =	sbr.rel .LBB2_1-.Ltmp0, $4  }
0x8: {  	[sflag:s6] =	ssyncpa.u1 $0x0;
	s11 =	smov.u32 s3;
	p0 =	sne.s32 s7, $0x0  }
0x9: {  	s8 =	sshrl.u32 s8, $0xB;
	s7 =	simm.s32 $0x2;
	s9 =	simm.s32 @!p0 $0x0  }
0xa: {  	[sflag:s7] =	ssyncpa.u1 $0x0;
	p0 =	por $0x0, $0x0;
	s8 =	sadd.s32 s9, s8  }
0xb: {  	vm0 =	vmmov $0xffff;
	[sflag:s10] =	ssyncpa.u1 $0x0;
	s10 =	simm.s32 $0x0;
	s9 =	sadd.s32 $0x1, s8  }
.LBB2_4:
0xc: {  	v2 =	vnsel vm1, $0x0, v2  }
0xd: {  	vm1 =	vgt.s32 v0, $0x0;
	v2 =	vmin.u32 v2, $0xFFF  }
0xe: {  	v0 =	vnsel vm1, $0x0, v0  }
0xf: {  	v0 =	vmin.u32 v0, $0xFFF  }
0x10: {  	[tilespmem:s15], [sflag:$0x1] =	stream.indirect_vreg.gather [hbm4b:s4+s10], $0x1, v1, vm0, $0x4038;
	[tilespmem:$0x100] =	vst v63  }
0x11: {  	(ifvalue) =	ssetifvalue $0x7FFFFFFF  }
0x12: {  	[tilespmem:s16], [sflag:$0x1] =	stream.indirect_vreg.gather [hbm4b:s4+s10], $0x1, v2, vm0, $0x4038;
	[tilespmem:$0x100] =	vst v63  }
0x13: {  	s29 =	sadd.s32 $0x10, s16;
	(ifvalue) =	ssetifvalue $0x7FFFFFFF  }
0x14: {  	[tilespmem:s29], [sflag:$0x1] =	stream.indirect_vreg.gather [hbm4b:s4+s10], $0x1, v0, vm0, $0x4038;
	[tilespmem:$0x100] =	vst v63  }
0x15: {  	_ =	swait.ge [sflag:s6], $0x40  }
0x16: {  	s30 =	sshrl.u32 s13, $0x3;
	[sflag:s6] =	ssyncset.done $0x0  }
0x17: {  	s31 =	sand.u32 $0x7, s13;
	s15 =	sadd.s32 s2, s30;
	[sflag:s6] =	ssyncadd.s32 $0xFFFFFFC0  }
0x18: {  	[hbm4b:s15+s31] =	stream.linear.scatter [tilespmem:s14], [sflag:$0x3], $0x40, $0x38;
	[tilespmem:$0x100] =	vst v63  }
.LBB2_5:
0x19: {  	s15 =	sadd.s32 $0x800, s11  }
0x1a: {  	p2 =	sgt.s32 s15, $0xFFF  }
0x1b: {  	s15 =	smov.u32 @p2 s3;
	p2 =	sne.s32 s12, s9  }
.Ltmp1:
0x1c: {  	p1 =	slt.u32 s12, $0x2;
	(pc) =	sbr.rel @!p2 .LBB2_6-.Ltmp1, $4  }
0x1d: {  	s14 =	simm.s32 @!p1 $0x3  }
0x1e: {  	s16 =	sadd.s32 $0x1, s12;
	_ =	swait.ge @!p1 [sflag:s14], $0x40  }
0x1f: {  	s13 =	smov.u32 s11;
	p0 =	por !p0, !p0;
	[sflag:s14] =	ssyncset.done @!p1 $0x0  }
0x20: {  	s12 =	smov.u32 s16;
	s11 =	smov.u32 s15;
	[sflag:s14] =	ssyncadd.s32 @!p1 $0xFFFFFFC0  }
.LBB2_1:
0x21: {  	p1 =	sge.u32 s12, s8  }
0x22: {  	s14 =	sxor.u32 @!p1 $0xFFFFFFFF, s12  }
0x23: {  	s31 =	sadd.s32 $0xFFFFFFFF, s12;
	s15 =	sshrl.u32 @!p1 s11, $0x3;
	s14 =	sshll.u32 @!p1 s14, $0x6  }
0x24: {  	s16 =	sand.u32 @!p1 $0x7, s11;
	s15 =	sadd.s32 @!p1 s5, s15;
	s14 =	sand.u32 @!p1 $0x40, s14  }
0x25: {  	[tilespmem:s14], [sflag:$0x2] =	stream.linear.gather @!p1 [hbm4b:s15+s16], $0x40, $0x38;
	[tilespmem:$0x100] =	vst v63  }
0x26: {  	p1 =	sge.u32 s31, s8  }
.Ltmp2:
0x27: {  	_ = 	snop;
	(pc) =	sbr.rel @p1 .LBB2_5-.Ltmp2, $1  }
0x28: {  	_ =	sdelay $0x3  }
0x29: {  	s14 =	simm.s32 $0x1  }
0x2a: {  	_ =	swait.ge [sflag:s7], $0x40;
	s14 =	simm.s32 @!p0 $0x0  }
0x2b: {  	[sflag:s7] =	ssyncset.done $0x0;
	s14 =	sshll.u32 s14, $0x6  }
0x2c: {  	[sflag:s7] =	ssyncadd.s32 $0xFFFFFFC0;
	(ifvalue) =	ssetifvalue $0x7FFFFFFF;
	v0 =	vld.msk [tilespmem:s14+$0x0 ss:$0x1], $0xffff;
	_ =	sdelay $0x4  }
0x2d: {  	s15 =	sadd.s32 $0x10, s14;
	vm1 =	vgt.s32 v0, $0x0  }
0x2e: {  	v2 =	vld.msk [tilespmem:s15+$0x0 ss:$0x1], $0xffff;
	v1 =	vnsel vm1, $0x0, v0  }
0x2f: {  	v1 =	vmin.u32 v1, $0xFFF;
	_ =	sdelay $0x1  }
0x30: {  	s16 =	sshll.u32 s12, $0x6;
	s18 =	simm.s32 $0x20  }
0x31: {  	s16 =	sand.u32 $0x40, s16;
	s17 =	sadd.s32 $0x10, s15;
	s15 =	sor.u32 $0x80, s14  }
0x32: {  	s14 =	sor.u32 $0x80, s16;
	s16 =	sadd.s32 $0x10, s15;
	v0 =	vld.msk [tilespmem:s17+$0x0 ss:$0x1], $0xffff;
	vm1 =	vgt.s32 v2, $0x0;
	(ifvalue) =	ssetifvalue $0x7FFFFFFF  }
.LBB2_3:
0x33: {  	[tilespmem:s15], [sflag:$0x1] =	stream.indirect_vreg.gather [hbm4b:s4+s10], $0x1, v1, vm0, $0x4038;
	[tilespmem:$0x100] =	vst v63  }
0x34: {  	s18 =	sadd.s32 $0x10, s18  }
0x35: {  	v2 =	vnsel vm1, $0x0, v2;
	p1 =	slt.u32 s18, $0x30  }
.Ltmp3:
0x36: {  	s15 =	smov.u32 s16;
	v1 =	vmin.u32 v2, $0xFFF;
	(pc) =	sbr.rel @p1 .LBB2_3-.Ltmp3, $3  }
0x37: {  	_ =	sdelay $0x1  }
0x38: {  	s17 =	sadd.s32 $0x10, s17  }
0x39: {  	vm1 =	vgt.s32 v0, $0x0;
	s16 =	sadd.s32 $0x10, s16;
	v2 =	vmov v0;
	(ifvalue) =	ssetifvalue $0x7FFFFFFF;
	v0 =	vld.msk [tilespmem:s17+$0x0 ss:$0x1], $0xffff  }
.Ltmp4:
0x3a: {  	_ = 	snop;
	(pc) =	sbr.rel .LBB2_4-.Ltmp4, $1  }
0x3b: {  	_ =	sdelay $0x3  }
.LBB2_6:
0x3c: {  	_ =	sfence.sel $0x180000  }
0x3d: {  	s2 =	simm.s32 $0x2;
	[bflag:$0x0] =	sbarrier.arrive $0xFFFF  }
0x3e: {  	s30 =	simm.s32 $0x3;
	[sflag:s2] =	ssyncpa.u1 $0x1  }
0x3f: {  	s31 =	simm.s32 $0x1;
	[sflag:s30] =	ssyncpa.u1 $0x1  }
0x40: {  	[sflag:s31] =	ssyncpa.u1 $0x1  }
0x41: {  	p0 =	sne.s32 s0, $0x0;
	_ =	strace $0x90000050  }
0x42: {  	s0 =	sadd.s32 @!p0 $0x100000, s1;
	[bflag:$0x2] =	sbarrier.arrive $0xFFFF  }
0x43: {  	[sflag:s0] =	ssyncadd.tile.s32 @!p0 $0x1;
	_ =	shalt  }
.Lfunc_end2:
_tile_overlayer_lowered:
.L_overlay_start_2:
0x44: {  	(tag) =	ssettag $0x2  }
0x45: {  	s0 =	rddreg [dreg:$0x0];
	s2 =	stileid.u32  }
0x46: {  	s1 =	rddreg [dreg:$0x1];
	p0 =	sne.s32 s2, $0x0  }
0x47: {  	s3 =	rddreg [dreg:$0x2];
	[bflag:$0x3] =	sbarrier.arrive $0xFFFF;
	s2 =	simm.s32 @!p0 $0x1C01  }
0x48: {  	[timem:s3], [sflag:s2] =	dma.local @!p0 [hbm:s0], s1  }
0x49: {  	s0 =	simm.s32 @!p0 $0x1  }
0x4a: {  	_ =	swait.ge @!p0 [sflag:s0], s1  }
0x4b: {  	s1 =	ssub.s32 @!p0 $0x0, s1;
	[sflag:s0] =	ssyncset.done @!p0 $0x0  }
0x4c: {  	[sflag:s0] =	ssyncadd.s32 @!p0 s1  }
0x4d: {  	[bflag:$0x3] =	sbarrier.arrive $0xFFFF  }
0x4e: {  	_ =	shalt  }

// kernel: gather_offload_async_start
scs
__scs_entry_jumppad:
0x0: {  	(pc) =	sbr.rel $0x88, $3  }
0x1: {  	(tag) =	ssettag $0x0;
	lr =	simm.s32 $0x1  }
0x2: {  	[smem:$0x3F9B] =	sst lr;
	_ =	strace $0xD0000000  }
0x3: {  	_ = 	snop  }
0x4: {  	_ = 	snop  }
0x5: {  	_ = 	snop  }
0x6: {  	_ = 	snop  }
0x7: {  	_ = 	snop  }
__scs_overlays_trampoline_lowered:
0x8: {  	[smem:$0x3FAA] =	sst s0  }
0x9: {  	[smem:$0x3FAB] =	sst s1  }
0xa: {  	[smem:$0x3FAC] =	sst s2  }
0xb: {  	[smem:$0x3FAD] =	sst s3  }
0xc: {  	[smem:$0x3FAE] =	sst s4  }
0xd: {  	[smem:$0x3FAF] =	sst s5  }
0xe: {  	[smem:$0x3FB0] =	sst s6  }
0xf: {  	[smem:$0x3FB1] =	sst s7  }
0x10: {  	[smem:$0x3FB2] =	sst s8  }
0x11: {  	[smem:$0x3FB3] =	sst s9;
	s0 =	simm.s32 @!p0 $0x0  }
0x12: {  	s1 =	sld [smem:$0x3F99];
	s0 =	simm.s32 @p0 $0x1  }
0x13: {  	[smem:$0x3FB4] =	sst s0;
	s0 =	simm.s32 @!p1 $0x0  }
0x14: {  	s2 =	sld [smem:$0x3F98];
	s0 =	simm.s32 @p1 $0x1  }
0x15: {  	[smem:$0x3FB5] =	sst s0;
	s0 =	simm.s32 @!p2 $0x0  }
0x16: {  	s3 =	sld [smem:$0x3FDB];
	s0 =	simm.s32 @p2 $0x1  }
0x17: {  	s4 =	simm.s32 $0x1BF5;
	[smem:$0x3FB7] =	sst s0  }
0x18: {  	s0 =	sld [smem:$0x3F9A];
	_ =	swait.ge [sflag:s4], $0x0  }
0x19: {  	s7 =	sld [smem:$0x3F9B]  }
0x1a: {  	s8 =	sadd.s32 $0xFFFFE003, lr  }
0x1b: {  	s9 =	sadd.s32 $0xFFFFFEF7, lr;
	s5 =	simm.s32 $0xFFFFFFFF;
	p2 =	slt.u32 s8, $0xFFFFF086  }
0x1c: {  	p1 =	slt.u32 s9, $0xF7A;
	s5 =	simm.s32 @!p2 $0x0  }
0x1d: {  	s5 =	simm.s32 @p1 $0x1;
	p0 =	seq.s32 s7, s2  }
0x1e: {  	s7 =	smul.u32 @!p0 $0xF7A, s2;
	p2 =	seq.s32 @!p0 s5, $0x0  }
0x1f: {  	s9 =	smul.u32 $0xF7A, s1;
	s8 =	simm.s32 @!p0 $0x1BF5;
	p2 =	por !p2, p0  }
0x20: {  	[sflag:s8] =	ssyncset.s32 @!p0 $0xFFFFF086;
	s6 =	sadd.s32 @!p0 s3, s7;
	s7 =	simm.s32 @!p0 $0x108  }
0x21: {  	s3 =	sadd.s32 s3, s9;
	s6 =	sadd.s32 @!p0 $0x88, s6;
	s7 =	simm.s32 @p2 $0x1082  }
0x22: {  	[simem:s7], [sflag:s8] =	dma.local @!p0 [hbm:s6], $0xF7A  }
0x23: {  	s9 =	sor.u32 $0xD0000000, s2;
	s6 =	simm.s32 $0x108;
	_ =	swait.ge @!p0 [sflag:s8], $0x0  }
0x24: {  	s3 =	sadd.s32 $0x88, s3;
	s6 =	simm.s32 @!p1 $0x1082;
	[sflag:s4] =	ssyncset.s32 $0xFFFFF086  }
0x25: {  	[simem:s6], [sflag:s4] =	dma.local [hbm:s3], $0xF7A  }
0x26: {  	[smem:$0x3F9B] =	sst s1;
	(tag) =	ssettag s2;
	_ =	strace s9  }
0x27: {  	s1 =	sld [smem:$0x3FAB]  }
0x28: {  	s2 =	sld [smem:$0x3FAC]  }
0x29: {  	s4 =	sld [smem:$0x3FAE]  }
0x2a: {  	p0 =	seq.s32 s5, $0x0;
	s5 =	sld [smem:$0x3FAF]  }
0x2b: {  	s6 =	sld [smem:$0x3FB0]  }
0x2c: {  	s7 =	sld [smem:$0x3FB1]  }
0x2d: {  	s3 =	simm.s32 $0x108;
	s8 =	sld [smem:$0x3FB2]  }
0x2e: {  	s3 =	simm.s32 @!p0 $0x1082;
	s9 =	sld [smem:$0x3FB3]  }
0x2f: {  	lr =	sadd.s32 s0, s3;
	s0 =	sld [smem:$0x3FAA]  }
0x30: {  	s3 =	sld [smem:$0x3FAD]  }
0x31: {  	[smem:$0x3FB6] =	sst s10  }
0x32: {  	s10 =	sld [smem:$0x3FB4];
	_ =	sdelay $0x3  }
0x33: {  	p0 =	seq.s32 s10, $0x1;
	s10 =	sld [smem:$0x3FB6];
	_ =	sdelay $0x3  }
0x34: {  	[smem:$0x3FB6] =	sst s10  }
0x35: {  	s10 =	sld [smem:$0x3FB5];
	_ =	sdelay $0x3  }
0x36: {  	p1 =	seq.s32 s10, $0x1;
	s10 =	sld [smem:$0x3FB6];
	_ =	sdelay $0x3  }
0x37: {  	[smem:$0x3FB6] =	sst s10  }
0x38: {  	s10 =	sld [smem:$0x3FB7]  }
0x39: {  	_ = 	snop;
	(pc) =	sbr.ind lr, $3  }
0x3a: {  	_ = 	snop  }
0x3b: {  	_ = 	snop  }
0x3c: {  	p2 =	seq.s32 s10, $0x1;
	s10 =	sld [smem:$0x3FB6]  }
0x3d: {  	_ =	shalt  }
0x3e: {  	_ =	shalt  }
0x3f: {  	_ =	shalt  }
0x40: {  	_ =	shalt  }
0x41: {  	_ =	shalt  }
0x42: {  	_ =	shalt  }
0x43: {  	_ =	shalt  }
0x44: {  	_ =	shalt  }
0x45: {  	_ =	shalt  }
0x46: {  	_ =	shalt  }
0x47: {  	_ =	shalt  }
0x48: {  	_ =	shalt  }
0x49: {  	_ =	shalt  }
0x4a: {  	_ =	shalt  }
0x4b: {  	_ =	shalt  }
0x4c: {  	_ =	shalt  }
0x4d: {  	_ =	shalt  }
0x4e: {  	_ =	shalt  }
0x4f: {  	_ =	shalt  }
0x50: {  	_ =	shalt  }
0x51: {  	_ =	shalt  }
0x52: {  	_ =	shalt  }
0x53: {  	_ =	shalt  }
0x54: {  	_ =	shalt  }
0x55: {  	_ =	shalt  }
0x56: {  	_ =	shalt  }
0x57: {  	_ =	shalt  }
0x58: {  	_ =	shalt  }
0x59: {  	_ =	shalt  }
0x5a: {  	_ =	shalt  }
0x5b: {  	_ =	shalt  }
0x5c: {  	_ =	shalt  }
0x5d: {  	_ =	shalt  }
0x5e: {  	_ =	shalt  }
0x5f: {  	_ =	shalt  }
0x60: {  	_ =	shalt  }
0x61: {  	_ =	shalt  }
0x62: {  	_ =	shalt  }
0x63: {  	_ =	shalt  }
0x64: {  	_ =	shalt  }
0x65: {  	_ =	shalt  }
0x66: {  	_ =	shalt  }
0x67: {  	_ =	shalt  }
0x68: {  	_ =	shalt  }
0x69: {  	_ =	shalt  }
0x6a: {  	_ =	shalt  }
0x6b: {  	_ =	shalt  }
0x6c: {  	_ =	shalt  }
0x6d: {  	_ =	shalt  }
0x6e: {  	_ =	shalt  }
0x6f: {  	_ =	shalt  }
0x70: {  	_ =	shalt  }
0x71: {  	_ =	shalt  }
0x72: {  	_ =	shalt  }
0x73: {  	_ =	shalt  }
0x74: {  	_ =	shalt  }
0x75: {  	_ =	shalt  }
0x76: {  	_ =	shalt  }
0x77: {  	_ =	shalt  }
0x78: {  	_ =	shalt  }
0x79: {  	_ =	shalt  }
0x7a: {  	_ =	shalt  }
0x7b: {  	_ =	shalt  }
0x7c: {  	_ =	shalt  }
0x7d: {  	_ =	shalt  }
0x7e: {  	_ =	shalt  }
0x7f: {  	_ =	shalt  }
0x80: {  	_ =	shalt  }
0x81: {  	_ =	shalt  }
0x82: {  	_ =	shalt  }
0x83: {  	_ =	shalt  }
0x84: {  	_ =	shalt  }
0x85: {  	_ =	shalt  }
0x86: {  	_ =	shalt  }
0x87: {  	_ =	shalt  }
.Lfunc_end0:
.L_simem_size_0:
called_computation.1_lowered:
.L_overlay_start_0:
0x88: {  	s2 =	sld [smem:$0x3FD9]  }
0x89: {  	s3 =	sld [smem:$0x3FFE];
	_ =	sdelay $0x1  }
0x8a: {  	s1 =	srdreg.scid  }
0x8b: {  	s0 =	sand.u32 $0x1, s1  }
0x8c: {  	s16 =	sshll.u32 s0, $0xA;
	s2 =	sadd.s32 s3, s2  }
0x8d: {  	s2 =	sadd.s32 s2, s16  }
0x8e: {  	[smem:$0x3FC2] =	sst s2  }
0x8f: {  	_ = 	snop  }
0x90: {  	(tm) =	ssettm $0x1  }
0x91: {  	s17 =	sld [smem:$0x3FFB];
	_ =	sdelay $0x3  }
0x92: {  	_ =	strace s17  }
0x93: {  	s2 =	sld [smem:$0x3FFC];
	_ =	sdelay $0x3  }
0x94: {  	_ =	strace s2  }
0x95: {  	s2 =	sld [smem:$0x3FFD];
	_ =	sdelay $0x3  }
0x96: {  	_ =	strace s2  }
0x97: {  	_ =	strace $0x8FFFFFFF  }
0x98: {  	s18 =	sld [smem:$0x3FDB];
	_ =	sdelay $0x1  }
0x99: {  	s19 =	simm.s32 $_scs_section_size  }
0x9a: {  	s4 =	simm.s32 $_size__tile_overlayer_lowered;
	s5 =	simm.s32 $_tile_overlayer_lowered  }
0x9b: {  	s22 =	simm.s32 $0x1BFF;
	s21 =	sshll.u32 s5, $0x1;
	s2 =	sadd.s32 s19, s18  }
0x9c: {  	s6 =	simm.s32 $0x0;
	s20 =	sshll.u32 s4, $0x1;
	s4 =	sadd.s32 s21, s2  }
0x9d: {  	[timem:s6], [sflag:s22] =	dma.local [hbm:s4], s20  }
0x9e: {  	_ =	swait.ge [sflag:s22], s20  }
0x9f: {  	s3 =	ssub.s32 $0x0, s20;
	[sflag:s22] =	ssyncset.done $0x0  }
0xa0: {  	[sflag:s22] =	ssyncadd.s32 s3;
	_ =	sdelay $0x1  }
0xa1: {  	s23 =	simm.s32 $0x1B8B  }
0xa2: {  	_ =	swait.ge [sflag:s23], $0x1  }
0xa3: {  	[sflag:s23] =	ssyncset.done $0x0  }
0xa4: {  	s25 =	simm.s32 $0x1B8E;
	s24 =	sld [smem:$0x3FFE];
	[sflag:s23] =	ssyncadd.s32 $0xFFFFFFFF  }
0xa5: {  	s26 =	simm.s32 $execute0_lowered;
	[smem:$0x3FD2] =	sst s25  }
0xa6: {  	s4 =	sshll.u32 s26, $0x1;
	_ =	strace $0x80000049;
	[dreg:$0x1] =	wrdreg $0xFFFFFFFF  }
0xa7: {  	s28 =	simm.s32 $_size_execute0_lowered;
	s2 =	sadd.s32 s2, s4;
	[dreg:$0x0] =	wrdreg $0x0  }
0xa8: {  	s4 =	sshll.u32 s28, $0x1;
	[dreg:$0x2] =	wrdreg s2  }
0xa9: {  	[dreg:$0x3] =	wrdreg s4  }
0xaa: {  	[dreg:$0x4] =	wrdreg $0xC0  }
0xab: {  	_ =	task [dreg:s6], $0x5FFFF  }
0xac: {  	[dreg:$0x1] =	wrdreg $0xFFFFFFFF  }
0xad: {  	[dreg:$0x0] =	wrdreg $0x60  }
0xae: {  	[dreg:$0x2] =	wrdreg s24  }
0xaf: {  	[dreg:$0x3] =	wrdreg $0x9  }
0xb0: {  	_ =	task.clear_ibuf [dreg:s6], $0x4FFFF;
	_ =	strace $0x90000049  }
0xb1: {  	s29 =	simm.s32 $0x9;
	_ =	strace $0x8000004B  }
0xb2: {  	_ =	swait.ge [sflag:s29], $0x1  }
0xb3: {  	[sflag:s29] =	ssyncadd.s32 $0xFFFFFFFF  }
0xb4: {  	_ =	strace $0x9000004B  }
0xb5: {  	_ =	sfence  }
0xb6: {  	s30 =	sld [smem:$0x0];
	_ =	sdelay $0x2  }
0xb7: {  	s31 =	sshll.u32 s1, $0xD;
	s1 =	sshrl.u32 s1, $0x2  }
0xb8: {  	s3 =	sand.u32 $0x4000, s31;
	s1 =	sadd.s32 s1, s30  }
0xb9: {  	s0 =	sor.u32 s3, s0;
	s1 =	sshll.u32 s1, $0x11  }
0xba: {  	s0 =	sor.u32 s1, s0  }
0xbb: {  	s0 =	sadd.s32 $0x8F2B, s0  }
0xbc: {  	[sflag:s0] =	ssyncadd.remote.s32 $0x1  }
0xbd: {  	_ =	sfence.sel $0xFFFF  }
0xbe: {  	[dreg:$0x0] =	wrdreg $0xFFFFFFFF;
	(pc) =	sbr.abs _section_cstart, $3  }
0xbf: {  	[dreg:$0x1] =	wrdreg $0xFFFFFFFF  }
0xc0: {  	_ =	task.clear_ibuf [dreg:s6], $0x2FFFF;
	_ =	strace $0x9FFFFFFF  }
0xc1: {  	(tm) =	ssettm $0x7FFFFFFF  }
tec
execute0_lowered:
.L_overlay_start_1:
0x0: {  	(tag) =	ssettag $0x1  }
0x1: {  	s0 =	srdreg.scid;
	s5 =	rddreg [dreg:$0x0]  }
0x2: {  	s1 =	stileid.u32;
	s6 =	simm.s32 $0x1;
	s9 =	simm.s32 $0x1  }
0x3: {  	s10 =	simm.s32 $0x3;
	s13 =	simm.s32 $0x0;
	s2 =	sshll.u32 s0, $0x6  }
0x4: {  	s12 =	simm.s32 $0x0;
	s3 =	sshll.u32 s1, $0x7;
	s2 =	sand.u32 $0x40, s2  }
0x5: {  	s0 =	rddreg [dreg:$0x1];
	_ =	strace $0x8000004A;
	s2 =	sor.u32 s3, s2  }
0x6: {  	s4 =	sadd.s32 $0xA00, s5;
	[sflag:s6] =	ssyncpa.u1 $0x0;
	s8 =	ssub.s32 $0x1000, s2  }
.Ltmp0:
0x7: {  	s3 =	sadd.s32 $0x400, s5;
	s7 =	sand.u32 $0x7C0, s8;
	(pc) =	sbr.rel .LBB2_1-.Ltmp0, $4  }
0x8: {  	s5 =	sadd.s32 $0x1800, s5;
	s11 =	smov.u32 s2;
	p0 =	sne.s32 s7, $0x0  }
0x9: {  	s8 =	sshrl.u32 s8, $0xB;
	s7 =	simm.s32 $0x2;
	s9 =	simm.s32 @!p0 $0x0  }
0xa: {  	[sflag:s7] =	ssyncpa.u1 $0x0;
	p0 =	por $0x0, $0x0;
	s8 =	sadd.s32 s9, s8  }
0xb: {  	vm0 =	vmmov $0xffff;
	[sflag:s10] =	ssyncpa.u1 $0x0;
	s10 =	simm.s32 $0x0;
	s9 =	sadd.s32 $0x1, s8  }
.LBB2_4:
0xc: {  	v2 =	vnsel vm1, $0x0, v2  }
0xd: {  	vm1 =	vgt.s32 v0, $0x0;
	v2 =	vmin.u32 v2, $0xFFF  }
0xe: {  	v0 =	vnsel vm1, $0x0, v0  }
0xf: {  	v0 =	vmin.u32 v0, $0xFFF  }
0x10: {  	[tilespmem:s15], [sflag:$0x1] =	stream.indirect_vreg.gather [hbm4b:s3+s10], $0x1, v1, vm0, $0x4038;
	[tilespmem:$0x100] =	vst v63  }
0x11: {  	(ifvalue) =	ssetifvalue $0x7FFFFFFF  }
0x12: {  	[tilespmem:s16], [sflag:$0x1] =	stream.indirect_vreg.gather [hbm4b:s3+s10], $0x1, v2, vm0, $0x4038;
	[tilespmem:$0x100] =	vst v63  }
0x13: {  	s29 =	sadd.s32 $0x10, s16;
	(ifvalue) =	ssetifvalue $0x7FFFFFFF  }
0x14: {  	[tilespmem:s29], [sflag:$0x1] =	stream.indirect_vreg.gather [hbm4b:s3+s10], $0x1, v0, vm0, $0x4038;
	[tilespmem:$0x100] =	vst v63  }
0x15: {  	_ =	swait.ge [sflag:s6], $0x40  }
0x16: {  	s30 =	sshrl.u32 s13, $0x3;
	[sflag:s6] =	ssyncset.done $0x0  }
0x17: {  	s31 =	sand.u32 $0x7, s13;
	s15 =	sadd.s32 s5, s30;
	[sflag:s6] =	ssyncadd.s32 $0xFFFFFFC0  }
0x18: {  	[hbm4b:s15+s31] =	stream.linear.scatter [tilespmem:s14], [sflag:$0x3], $0x40, $0x38;
	[tilespmem:$0x100] =	vst v63  }
.LBB2_5:
0x19: {  	s15 =	sadd.s32 $0x800, s11  }
0x1a: {  	p2 =	sgt.s32 s15, $0xFFF  }
0x1b: {  	s15 =	smov.u32 @p2 s2;
	p2 =	sne.s32 s12, s9  }
.Ltmp1:
0x1c: {  	p1 =	slt.u32 s12, $0x2;
	(pc) =	sbr.rel @!p2 .LBB2_6-.Ltmp1, $4  }
0x1d: {  	s14 =	simm.s32 @!p1 $0x3  }
0x1e: {  	s16 =	sadd.s32 $0x1, s12;
	_ =	swait.ge @!p1 [sflag:s14], $0x40  }
0x1f: {  	s13 =	smov.u32 s11;
	p0 =	por !p0, !p0;
	[sflag:s14] =	ssyncset.done @!p1 $0x0  }
0x20: {  	s12 =	smov.u32 s16;
	s11 =	smov.u32 s15;
	[sflag:s14] =	ssyncadd.s32 @!p1 $0xFFFFFFC0  }
.LBB2_1:
0x21: {  	p1 =	sge.u32 s12, s8  }
0x22: {  	s14 =	sxor.u32 @!p1 $0xFFFFFFFF, s12  }
0x23: {  	s31 =	sadd.s32 $0xFFFFFFFF, s12;
	s15 =	sshrl.u32 @!p1 s11, $0x3;
	s14 =	sshll.u32 @!p1 s14, $0x6  }
0x24: {  	s16 =	sand.u32 @!p1 $0x7, s11;
	s15 =	sadd.s32 @!p1 s4, s15;
	s14 =	sand.u32 @!p1 $0x40, s14  }
0x25: {  	[tilespmem:s14], [sflag:$0x2] =	stream.linear.gather @!p1 [hbm4b:s15+s16], $0x40, $0x38;
	[tilespmem:$0x100] =	vst v63  }
0x26: {  	p1 =	sge.u32 s31, s8  }
.Ltmp2:
0x27: {  	_ = 	snop;
	(pc) =	sbr.rel @p1 .LBB2_5-.Ltmp2, $1  }
0x28: {  	_ =	sdelay $0x3  }
0x29: {  	s14 =	simm.s32 $0x1  }
0x2a: {  	_ =	swait.ge [sflag:s7], $0x40;
	s14 =	simm.s32 @!p0 $0x0  }
0x2b: {  	[sflag:s7] =	ssyncset.done $0x0;
	s14 =	sshll.u32 s14, $0x6  }
0x2c: {  	[sflag:s7] =	ssyncadd.s32 $0xFFFFFFC0;
	(ifvalue) =	ssetifvalue $0x7FFFFFFF;
	v0 =	vld.msk [tilespmem:s14+$0x0 ss:$0x1], $0xffff;
	_ =	sdelay $0x4  }
0x2d: {  	s15 =	sadd.s32 $0x10, s14;
	vm1 =	vgt.s32 v0, $0x0  }
0x2e: {  	v2 =	vld.msk [tilespmem:s15+$0x0 ss:$0x1], $0xffff;
	v1 =	vnsel vm1, $0x0, v0  }
0x2f: {  	v1 =	vmin.u32 v1, $0xFFF;
	_ =	sdelay $0x1  }
0x30: {  	s16 =	sshll.u32 s12, $0x6;
	s18 =	simm.s32 $0x20  }
0x31: {  	s16 =	sand.u32 $0x40, s16;
	s17 =	sadd.s32 $0x10, s15;
	s15 =	sor.u32 $0x80, s14  }
0x32: {  	s14 =	sor.u32 $0x80, s16;
	s16 =	sadd.s32 $0x10, s15;
	v0 =	vld.msk [tilespmem:s17+$0x0 ss:$0x1], $0xffff;
	vm1 =	vgt.s32 v2, $0x0;
	(ifvalue) =	ssetifvalue $0x7FFFFFFF  }
.LBB2_3:
0x33: {  	[tilespmem:s15], [sflag:$0x1] =	stream.indirect_vreg.gather [hbm4b:s3+s10], $0x1, v1, vm0, $0x4038;
	[tilespmem:$0x100] =	vst v63  }
0x34: {  	s18 =	sadd.s32 $0x10, s18  }
0x35: {  	v2 =	vnsel vm1, $0x0, v2;
	p1 =	slt.u32 s18, $0x30  }
.Ltmp3:
0x36: {  	s15 =	smov.u32 s16;
	v1 =	vmin.u32 v2, $0xFFF;
	(pc) =	sbr.rel @p1 .LBB2_3-.Ltmp3, $3  }
0x37: {  	_ =	sdelay $0x1  }
0x38: {  	s17 =	sadd.s32 $0x10, s17  }
0x39: {  	vm1 =	vgt.s32 v0, $0x0;
	s16 =	sadd.s32 $0x10, s16;
	v2 =	vmov v0;
	(ifvalue) =	ssetifvalue $0x7FFFFFFF;
	v0 =	vld.msk [tilespmem:s17+$0x0 ss:$0x1], $0xffff  }
.Ltmp4:
0x3a: {  	_ = 	snop;
	(pc) =	sbr.rel .LBB2_4-.Ltmp4, $1  }
0x3b: {  	_ =	sdelay $0x3  }
.LBB2_6:
0x3c: {  	_ =	sfence.sel $0x180000  }
0x3d: {  	s2 =	simm.s32 $0x2;
	[bflag:$0x0] =	sbarrier.arrive $0xFFFF  }
0x3e: {  	s30 =	simm.s32 $0x3;
	[sflag:s2] =	ssyncpa.u1 $0x1  }
0x3f: {  	s31 =	simm.s32 $0x1;
	[sflag:s30] =	ssyncpa.u1 $0x1  }
0x40: {  	[sflag:s31] =	ssyncpa.u1 $0x1  }
0x41: {  	p0 =	sne.s32 s1, $0x0;
	_ =	strace $0x9000004A  }
0x42: {  	s0 =	sadd.s32 @!p0 $0x100000, s0;
	[bflag:$0x2] =	sbarrier.arrive $0xFFFF  }
0x43: {  	[sflag:s0] =	ssyncadd.tile.s32 @!p0 $0x1;
	_ =	shalt  }
.Lfunc_end2:
_tile_overlayer_lowered:
.L_overlay_start_2:
0x44: {  	(tag) =	ssettag $0x2  }
0x45: {  	s0 =	rddreg [dreg:$0x0];
	s2 =	stileid.u32  }
0x46: {  	s1 =	rddreg [dreg:$0x1];
	p0 =	sne.s32 s2, $0x0  }
0x47: {  	s3 =	rddreg [dreg:$0x2];
	[bflag:$0x3] =	sbarrier.arrive $0xFFFF;
	s2 =	simm.s32 @!p0 $0x1C01  }
0x48: {  	[timem:s3], [sflag:s2] =	dma.local @!p0 [hbm:s0], s1  }
0x49: {  	s0 =	simm.s32 @!p0 $0x1  }
0x4a: {  	_ =	swait.ge @!p0 [sflag:s0], s1  }
0x4b: {  	s1 =	ssub.s32 @!p0 $0x0, s1;
	[sflag:s0] =	ssyncset.done @!p0 $0x0  }
0x4c: {  	[sflag:s0] =	ssyncadd.s32 @!p0 s1  }
0x4d: {  	[bflag:$0x3] =	sbarrier.arrive $0xFFFF  }
0x4e: {  	_ =	shalt  }

// kernel: scatter_offload_async_start
scs
__scs_entry_jumppad:
0x0: {  	(pc) =	sbr.rel $0x88, $3  }
0x1: {  	(tag) =	ssettag $0x0;
	lr =	simm.s32 $0x1  }
0x2: {  	[smem:$0x3F9B] =	sst lr;
	_ =	strace $0xD0000000  }
0x3: {  	_ = 	snop  }
0x4: {  	_ = 	snop  }
0x5: {  	_ = 	snop  }
0x6: {  	_ = 	snop  }
0x7: {  	_ = 	snop  }
__scs_overlays_trampoline_lowered:
0x8: {  	[smem:$0x3FAA] =	sst s0  }
0x9: {  	[smem:$0x3FAB] =	sst s1  }
0xa: {  	[smem:$0x3FAC] =	sst s2  }
0xb: {  	[smem:$0x3FAD] =	sst s3  }
0xc: {  	[smem:$0x3FAE] =	sst s4  }
0xd: {  	[smem:$0x3FAF] =	sst s5  }
0xe: {  	[smem:$0x3FB0] =	sst s6  }
0xf: {  	[smem:$0x3FB1] =	sst s7  }
0x10: {  	[smem:$0x3FB2] =	sst s8  }
0x11: {  	[smem:$0x3FB3] =	sst s9;
	s0 =	simm.s32 @!p0 $0x0  }
0x12: {  	s1 =	sld [smem:$0x3F99];
	s0 =	simm.s32 @p0 $0x1  }
0x13: {  	[smem:$0x3FB4] =	sst s0;
	s0 =	simm.s32 @!p1 $0x0  }
0x14: {  	s2 =	sld [smem:$0x3F98];
	s0 =	simm.s32 @p1 $0x1  }
0x15: {  	[smem:$0x3FB5] =	sst s0;
	s0 =	simm.s32 @!p2 $0x0  }
0x16: {  	s3 =	sld [smem:$0x3FDB];
	s0 =	simm.s32 @p2 $0x1  }
0x17: {  	s4 =	simm.s32 $0x1BF5;
	[smem:$0x3FB7] =	sst s0  }
0x18: {  	s0 =	sld [smem:$0x3F9A];
	_ =	swait.ge [sflag:s4], $0x0  }
0x19: {  	s7 =	sld [smem:$0x3F9B]  }
0x1a: {  	s8 =	sadd.s32 $0xFFFFE003, lr  }
0x1b: {  	s9 =	sadd.s32 $0xFFFFFEF7, lr;
	s5 =	simm.s32 $0xFFFFFFFF;
	p2 =	slt.u32 s8, $0xFFFFF086  }
0x1c: {  	p1 =	slt.u32 s9, $0xF7A;
	s5 =	simm.s32 @!p2 $0x0  }
0x1d: {  	s5 =	simm.s32 @p1 $0x1;
	p0 =	seq.s32 s7, s2  }
0x1e: {  	s7 =	smul.u32 @!p0 $0xF7A, s2;
	p2 =	seq.s32 @!p0 s5, $0x0  }
0x1f: {  	s9 =	smul.u32 $0xF7A, s1;
	s8 =	simm.s32 @!p0 $0x1BF5;
	p2 =	por !p2, p0  }
0x20: {  	[sflag:s8] =	ssyncset.s32 @!p0 $0xFFFFF086;
	s6 =	sadd.s32 @!p0 s3, s7;
	s7 =	simm.s32 @!p0 $0x108  }
0x21: {  	s3 =	sadd.s32 s3, s9;
	s6 =	sadd.s32 @!p0 $0x88, s6;
	s7 =	simm.s32 @p2 $0x1082  }
0x22: {  	[simem:s7], [sflag:s8] =	dma.local @!p0 [hbm:s6], $0xF7A  }
0x23: {  	s9 =	sor.u32 $0xD0000000, s2;
	s6 =	simm.s32 $0x108;
	_ =	swait.ge @!p0 [sflag:s8], $0x0  }
0x24: {  	s3 =	sadd.s32 $0x88, s3;
	s6 =	simm.s32 @!p1 $0x1082;
	[sflag:s4] =	ssyncset.s32 $0xFFFFF086  }
0x25: {  	[simem:s6], [sflag:s4] =	dma.local [hbm:s3], $0xF7A  }
0x26: {  	[smem:$0x3F9B] =	sst s1;
	(tag) =	ssettag s2;
	_ =	strace s9  }
0x27: {  	s1 =	sld [smem:$0x3FAB]  }
0x28: {  	s2 =	sld [smem:$0x3FAC]  }
0x29: {  	s4 =	sld [smem:$0x3FAE]  }
0x2a: {  	p0 =	seq.s32 s5, $0x0;
	s5 =	sld [smem:$0x3FAF]  }
0x2b: {  	s6 =	sld [smem:$0x3FB0]  }
0x2c: {  	s7 =	sld [smem:$0x3FB1]  }
0x2d: {  	s3 =	simm.s32 $0x108;
	s8 =	sld [smem:$0x3FB2]  }
0x2e: {  	s3 =	simm.s32 @!p0 $0x1082;
	s9 =	sld [smem:$0x3FB3]  }
0x2f: {  	lr =	sadd.s32 s0, s3;
	s0 =	sld [smem:$0x3FAA]  }
0x30: {  	s3 =	sld [smem:$0x3FAD]  }
0x31: {  	[smem:$0x3FB6] =	sst s10  }
0x32: {  	s10 =	sld [smem:$0x3FB4];
	_ =	sdelay $0x3  }
0x33: {  	p0 =	seq.s32 s10, $0x1;
	s10 =	sld [smem:$0x3FB6];
	_ =	sdelay $0x3  }
0x34: {  	[smem:$0x3FB6] =	sst s10  }
0x35: {  	s10 =	sld [smem:$0x3FB5];
	_ =	sdelay $0x3  }
0x36: {  	p1 =	seq.s32 s10, $0x1;
	s10 =	sld [smem:$0x3FB6];
	_ =	sdelay $0x3  }
0x37: {  	[smem:$0x3FB6] =	sst s10  }
0x38: {  	s10 =	sld [smem:$0x3FB7]  }
0x39: {  	_ = 	snop;
	(pc) =	sbr.ind lr, $3  }
0x3a: {  	_ = 	snop  }
0x3b: {  	_ = 	snop  }
0x3c: {  	p2 =	seq.s32 s10, $0x1;
	s10 =	sld [smem:$0x3FB6]  }
0x3d: {  	_ =	shalt  }
0x3e: {  	_ =	shalt  }
0x3f: {  	_ =	shalt  }
0x40: {  	_ =	shalt  }
0x41: {  	_ =	shalt  }
0x42: {  	_ =	shalt  }
0x43: {  	_ =	shalt  }
0x44: {  	_ =	shalt  }
0x45: {  	_ =	shalt  }
0x46: {  	_ =	shalt  }
0x47: {  	_ =	shalt  }
0x48: {  	_ =	shalt  }
0x49: {  	_ =	shalt  }
0x4a: {  	_ =	shalt  }
0x4b: {  	_ =	shalt  }
0x4c: {  	_ =	shalt  }
0x4d: {  	_ =	shalt  }
0x4e: {  	_ =	shalt  }
0x4f: {  	_ =	shalt  }
0x50: {  	_ =	shalt  }
0x51: {  	_ =	shalt  }
0x52: {  	_ =	shalt  }
0x53: {  	_ =	shalt  }
0x54: {  	_ =	shalt  }
0x55: {  	_ =	shalt  }
0x56: {  	_ =	shalt  }
0x57: {  	_ =	shalt  }
0x58: {  	_ =	shalt  }
0x59: {  	_ =	shalt  }
0x5a: {  	_ =	shalt  }
0x5b: {  	_ =	shalt  }
0x5c: {  	_ =	shalt  }
0x5d: {  	_ =	shalt  }
0x5e: {  	_ =	shalt  }
0x5f: {  	_ =	shalt  }
0x60: {  	_ =	shalt  }
0x61: {  	_ =	shalt  }
0x62: {  	_ =	shalt  }
0x63: {  	_ =	shalt  }
0x64: {  	_ =	shalt  }
0x65: {  	_ =	shalt  }
0x66: {  	_ =	shalt  }
0x67: {  	_ =	shalt  }
0x68: {  	_ =	shalt  }
0x69: {  	_ =	shalt  }
0x6a: {  	_ =	shalt  }
0x6b: {  	_ =	shalt  }
0x6c: {  	_ =	shalt  }
0x6d: {  	_ =	shalt  }
0x6e: {  	_ =	shalt  }
0x6f: {  	_ =	shalt  }
0x70: {  	_ =	shalt  }
0x71: {  	_ =	shalt  }
0x72: {  	_ =	shalt  }
0x73: {  	_ =	shalt  }
0x74: {  	_ =	shalt  }
0x75: {  	_ =	shalt  }
0x76: {  	_ =	shalt  }
0x77: {  	_ =	shalt  }
0x78: {  	_ =	shalt  }
0x79: {  	_ =	shalt  }
0x7a: {  	_ =	shalt  }
0x7b: {  	_ =	shalt  }
0x7c: {  	_ =	shalt  }
0x7d: {  	_ =	shalt  }
0x7e: {  	_ =	shalt  }
0x7f: {  	_ =	shalt  }
0x80: {  	_ =	shalt  }
0x81: {  	_ =	shalt  }
0x82: {  	_ =	shalt  }
0x83: {  	_ =	shalt  }
0x84: {  	_ =	shalt  }
0x85: {  	_ =	shalt  }
0x86: {  	_ =	shalt  }
0x87: {  	_ =	shalt  }
.Lfunc_end0:
.L_simem_size_0:
called_computation_lowered:
.L_overlay_start_0:
0x88: {  	s0 =	sld [smem:$0x3FD9]  }
0x89: {  	s1 =	sld [smem:$0x3FFE];
	_ =	sdelay $0x3  }
0x8a: {  	s0 =	sadd.s32 s1, s0  }
0x8b: {  	[smem:$0x3FC2] =	sst s0  }
0x8c: {  	_ = 	snop  }
0x8d: {  	s0 =	sld [smem:$0x3FD0];
	_ =	sdelay $0x2  }
0x8e: {  	s13 =	simm.s32 $0xA;
	s2 =	simm.s32 $0x10  }
0x8f: {  	[smem:s2], [sflag:s13] =	dma.local [hbm:s0], $0x1  }
0x90: {  	_ =	swait.eq [sflag:s13], $0x1  }
0x91: {  	[sflag:s13] =	ssyncset.done $0x0  }
0x92: {  	[sflag:s13] =	ssyncadd.s32 $0xFFFFFFFF  }
0x93: {  	s14 =	sld [smem:$0x10];
	(tm) =	ssettm $0x1  }
0x94: {  	s15 =	sld [smem:$0x3FFB];
	_ =	sdelay $0x3  }
0x95: {  	_ =	strace s15  }
0x96: {  	s1 =	sld [smem:$0x3FFC];
	_ =	sdelay $0x3  }
0x97: {  	_ =	strace s1  }
0x98: {  	s1 =	sld [smem:$0x3FFD];
	_ =	sdelay $0x3  }
0x99: {  	_ =	strace s1  }
0x9a: {  	_ =	strace $0x8FFFFFFF  }
0x9b: {  	s16 =	sld [smem:$0x3FDB];
	_ =	sdelay $0x1  }
0x9c: {  	s17 =	simm.s32 $_scs_section_size  }
0x9d: {  	s3 =	simm.s32 $_size__tile_overlayer_lowered;
	s4 =	simm.s32 $_tile_overlayer_lowered  }
0x9e: {  	s20 =	simm.s32 $0x1BFF;
	s19 =	sshll.u32 s4, $0x1;
	s1 =	sadd.s32 s17, s16  }
0x9f: {  	s5 =	simm.s32 $0x0;
	s18 =	sshll.u32 s3, $0x1;
	s3 =	sadd.s32 s19, s1  }
0xa0: {  	[timem:s5], [sflag:s20] =	dma.local [hbm:s3], s18  }
0xa1: {  	_ =	swait.ge [sflag:s20], s18  }
0xa2: {  	s2 =	ssub.s32 $0x0, s18;
	[sflag:s20] =	ssyncset.done $0x0  }
0xa3: {  	[sflag:s20] =	ssyncadd.s32 s2;
	_ =	sdelay $0x1  }
0xa4: {  	s21 =	simm.s32 $0x1B8B  }
0xa5: {  	_ =	swait.ge [sflag:s21], $0x1  }
0xa6: {  	[sflag:s21] =	ssyncset.done $0x0  }
0xa7: {  	s23 =	simm.s32 $0x1B8E;
	s22 =	sld [smem:$0x3FFE];
	[sflag:s21] =	ssyncadd.s32 $0xFFFFFFFF  }
0xa8: {  	s24 =	simm.s32 $execute0_lowered;
	[smem:$0x3FD2] =	sst s23  }
0xa9: {  	s3 =	sshll.u32 s24, $0x1;
	_ =	strace $0x80000046;
	[dreg:$0x1] =	wrdreg $0xFFFFFFFF  }
0xaa: {  	s25 =	simm.s32 $_size_execute0_lowered;
	s1 =	sadd.s32 s1, s3;
	[dreg:$0x0] =	wrdreg $0x0  }
0xab: {  	s3 =	sshll.u32 s25, $0x1;
	[dreg:$0x2] =	wrdreg s1  }
0xac: {  	[dreg:$0x3] =	wrdreg s3  }
0xad: {  	[dreg:$0x4] =	wrdreg $0xC0  }
0xae: {  	_ =	task [dreg:s5], $0x5FFFF  }
0xaf: {  	[dreg:$0x1] =	wrdreg $0xFFFFFFFF  }
0xb0: {  	[dreg:$0x0] =	wrdreg $0x60  }
0xb1: {  	[dreg:$0x2] =	wrdreg s22  }
0xb2: {  	[dreg:$0x3] =	wrdreg s14  }
0xb3: {  	[dreg:$0x4] =	wrdreg $0x9  }
0xb4: {  	_ =	task.clear_ibuf [dreg:s5], $0x5FFFF;
	_ =	strace $0x90000046  }
0xb5: {  	s26 =	simm.s32 $0x9;
	_ =	strace $0x80000048  }
0xb6: {  	_ =	swait.ge [sflag:s26], $0x1  }
0xb7: {  	[sflag:s26] =	ssyncadd.s32 $0xFFFFFFFF  }
0xb8: {  	_ =	strace $0x90000048  }
0xb9: {  	_ =	sfence  }
0xba: {  	s28 =	sld [smem:$0x0];
	_ =	sdelay $0x1  }
0xbb: {  	s29 =	srdreg.scid  }
0xbc: {  	s30 =	sshll.u32 s29, $0xD;
	s31 =	sshrl.u32 s29, $0x2  }
0xbd: {  	s2 =	sand.u32 $0x4000, s30;
	s1 =	sand.u32 $0x1, s29;
	s0 =	sadd.s32 s31, s28  }
0xbe: {  	s1 =	sor.u32 s2, s1;
	s0 =	sshll.u32 s0, $0x11  }
0xbf: {  	s0 =	sor.u32 s0, s1  }
0xc0: {  	s0 =	sadd.s32 $0x8F2B, s0  }
0xc1: {  	[sflag:s0] =	ssyncadd.remote.s32 $0x1  }
0xc2: {  	_ =	sfence.sel $0xFFFF  }
0xc3: {  	[dreg:$0x0] =	wrdreg $0xFFFFFFFF;
	(pc) =	sbr.abs _section_cstart, $3  }
0xc4: {  	[dreg:$0x1] =	wrdreg $0xFFFFFFFF  }
0xc5: {  	_ =	task.clear_ibuf [dreg:s5], $0x2FFFF;
	_ =	strace $0x9FFFFFFF  }
0xc6: {  	(tm) =	ssettm $0x7FFFFFFF  }
0xc7: {  	_ =	shalt  }
tec
execute0_lowered:
.L_overlay_start_1:
0x0: {  	(tag) =	ssettag $0x1  }
0x1: {  	s5 =	rddreg [dreg:$0x0]  }
0x2: {  	s6 =	rddreg [dreg:$0x1]  }
0x3: {  	s0 =	rddreg [dreg:$0x2];
	_ =	strace $0x80000047;
	s7 =	stileid.u32  }
0x4: {  	s3 =	simm.s32 $0x3E;
	s1 =	sadd.s32 $0x600, s5;
	p0 =	sne.s32 s7, $0x0  }
0x5: {  	[sflag:s3] =	ssyncpa.u1 $0x0;
	s4 =	simm.s32 @!p0 $0x1C3E;
	s2 =	simm.s32 @!p0 $0x0  }
0x6: {  	[spmem:s2], [sflag:s4] =	dma.local @!p0 [hbm:s1], $0x10  }
0x7: {  	s4 =	simm.s32 @!p0 $0x3E  }
0x8: {  	_ =	swait.ge @!p0 [sflag:s4], $0x10  }
0x9: {  	[sflag:s4] =	ssyncset.done @!p0 $0x0  }
0xa: {  	[sflag:s4] =	ssyncadd.s32 @!p0 $0xFFFFFFF0  }
0xb: {  	s9 =	simm.s32 $0x108;
	s8 =	sadd.s32 $0x800, s5;
	[bflag:$0x0] =	sbarrier.arrive $0xFFFF  }
0xc: {  	s7 =	sshll.u32 s7, $0x5;
	[sflag:s3] =	ssyncpa.u1 $0x1;
	s3 =	simm.s32 $0x1  }
0xd: {  	s5 =	simm.s32 $0x0;
	s4 =	simm.s32 $0x2;
	[sflag:s3] =	ssyncpa.u1 $0x0  }
0xe: {  	s6 =	sadd.s32 s6, s7;
	(ifvalue) =	ssetifvalue $0x80;
	[sflag:s4] =	ssyncpa.u1 $0x0  }
0xf: {  	[tilespmem:s9], [sflag:$0x2] =	stream.linear.gather [hbm4b:s6+s5], $0x100, $0x38;
	[tilespmem:$0x408] =	vst v63  }
0x10: {  	s23 =	simm.s32 $0x308;
	s22 =	sadd.s32 s8, s7  }
0x11: {  	[tilespmem:s23], [sflag:$0x2] =	stream.linear.gather [hbm4b:s22+s5], $0x100, $0x38;
	[tilespmem:$0x408] =	vst v63  }
0x12: {  	_ =	swait.ge [sflag:s4], $0x200  }
0x13: {  	[sflag:s4] =	ssyncset.done $0x0  }
0x14: {  	[sflag:s4] =	ssyncadd.s32 $0xFFFFFE00  }
0x15: {  	v0 =	vld.msk [tilespmem:s9+$0x0 ss:$0x1], $0xffff;
	_ =	sdelay $0x4  }
0x16: {  	v0 =	vmin.u32 v0, $0x80;
	_ =	sdelay $0x3  }
0x17: {  	vm0 =	vmmov $0xffff;
	s24 =	simm.s32 $0x118  }
0x18: {  	[spmem:s5] =	stream.indirect_vreg.scatter.add.s32 [tilespmem:s23], [sflag:$0x1], $0x1, v0, vm0, $0x4038;
	[tilespmem:$0x408] =	vst v63  }
0x19: {  	v0 =	vld.msk [tilespmem:s24+$0x0 ss:$0x1], $0xffff;
	_ =	sdelay $0x4  }
0x1a: {  	v0 =	vmin.u32 v0, $0x80;
	_ =	sdelay $0x3  }
0x1b: {  	s25 =	simm.s32 $0x318;
	s26 =	simm.s32 $0x128  }
0x1c: {  	[spmem:s5] =	stream.indirect_vreg.scatter.add.s32 [tilespmem:s25], [sflag:$0x1], $0x1, v0, vm0, $0x4038;
	[tilespmem:$0x408] =	vst v63  }
0x1d: {  	v0 =	vld.msk [tilespmem:s26+$0x0 ss:$0x1], $0xffff;
	_ =	sdelay $0x4  }
0x1e: {  	v0 =	vmin.u32 v0, $0x80;
	_ =	sdelay $0x3  }
0x1f: {  	s28 =	simm.s32 $0x328;
	s29 =	simm.s32 $0x138  }
0x20: {  	[spmem:s5] =	stream.indirect_vreg.scatter.add.s32 [tilespmem:s28], [sflag:$0x1], $0x1, v0, vm0, $0x4038;
	[tilespmem:$0x408] =	vst v63  }
0x21: {  	v0 =	vld.msk [tilespmem:s29+$0x0 ss:$0x1], $0xffff;
	_ =	sdelay $0x4  }
0x22: {  	v0 =	vmin.u32 v0, $0x80;
	_ =	sdelay $0x3  }
0x23: {  	s30 =	simm.s32 $0x338;
	s31 =	simm.s32 $0x148  }
0x24: {  	[spmem:s5] =	stream.indirect_vreg.scatter.add.s32 [tilespmem:s30], [sflag:$0x1], $0x1, v0, vm0, $0x4038;
	[tilespmem:$0x408] =	vst v63  }
0x25: {  	v0 =	vld.msk [tilespmem:s31+$0x0 ss:$0x1], $0xffff;
	_ =	sdelay $0x4  }
0x26: {  	v0 =	vmin.u32 v0, $0x80;
	_ =	sdelay $0x3  }
0x27: {  	s7 =	simm.s32 $0x348;
	s8 =	simm.s32 $0x158  }
0x28: {  	[spmem:s5] =	stream.indirect_vreg.scatter.add.s32 [tilespmem:s7], [sflag:$0x1], $0x1, v0, vm0, $0x4038;
	[tilespmem:$0x408] =	vst v63  }
0x29: {  	v0 =	vld.msk [tilespmem:s8+$0x0 ss:$0x1], $0xffff;
	_ =	sdelay $0x4  }
0x2a: {  	v0 =	vmin.u32 v0, $0x80;
	_ =	sdelay $0x3  }
0x2b: {  	s10 =	simm.s32 $0x168;
	s9 =	simm.s32 $0x358  }
0x2c: {  	[spmem:s5] =	stream.indirect_vreg.scatter.add.s32 [tilespmem:s9], [sflag:$0x1], $0x1, v0, vm0, $0x4038;
	[tilespmem:$0x408] =	vst v63  }
0x2d: {  	v0 =	vld.msk [tilespmem:s10+$0x0 ss:$0x1], $0xffff;
	_ =	sdelay $0x4  }
0x2e: {  	v0 =	vmin.u32 v0, $0x80;
	_ =	sdelay $0x3  }
0x2f: {  	s11 =	simm.s32 $0x368;
	s12 =	simm.s32 $0x178  }
0x30: {  	[spmem:s5] =	stream.indirect_vreg.scatter.add.s32 [tilespmem:s11], [sflag:$0x1], $0x1, v0, vm0, $0x4038;
	[tilespmem:$0x408] =	vst v63  }
0x31: {  	v0 =	vld.msk [tilespmem:s12+$0x0 ss:$0x1], $0xffff;
	_ =	sdelay $0x4  }
0x32: {  	v0 =	vmin.u32 v0, $0x80;
	_ =	sdelay $0x3  }
0x33: {  	s13 =	simm.s32 $0x378;
	s14 =	simm.s32 $0x188  }
0x34: {  	[spmem:s5] =	stream.indirect_vreg.scatter.add.s32 [tilespmem:s13], [sflag:$0x1], $0x1, v0, vm0, $0x4038;
	[tilespmem:$0x408] =	vst v63  }
0x35: {  	v0 =	vld.msk [tilespmem:s14+$0x0 ss:$0x1], $0xffff;
	_ =	sdelay $0x4  }
0x36: {  	v0 =	vmin.u32 v0, $0x80;
	_ =	sdelay $0x3  }
0x37: {  	s15 =	simm.s32 $0x388;
	s16 =	simm.s32 $0x198  }
0x38: {  	[spmem:s5] =	stream.indirect_vreg.scatter.add.s32 [tilespmem:s15], [sflag:$0x1], $0x1, v0, vm0, $0x4038;
	[tilespmem:$0x408] =	vst v63  }
0x39: {  	v0 =	vld.msk [tilespmem:s16+$0x0 ss:$0x1], $0xffff;
	_ =	sdelay $0x4  }
0x3a: {  	v0 =	vmin.u32 v0, $0x80;
	_ =	sdelay $0x3  }
0x3b: {  	s17 =	simm.s32 $0x398;
	s18 =	simm.s32 $0x1A8  }
0x3c: {  	[spmem:s5] =	stream.indirect_vreg.scatter.add.s32 [tilespmem:s17], [sflag:$0x1], $0x1, v0, vm0, $0x4038;
	[tilespmem:$0x408] =	vst v63  }
0x3d: {  	v0 =	vld.msk [tilespmem:s18+$0x0 ss:$0x1], $0xffff;
	_ =	sdelay $0x4  }
0x3e: {  	v0 =	vmin.u32 v0, $0x80;
	_ =	sdelay $0x3  }
0x3f: {  	s19 =	simm.s32 $0x3A8;
	s20 =	simm.s32 $0x1B8  }
0x40: {  	[spmem:s5] =	stream.indirect_vreg.scatter.add.s32 [tilespmem:s19], [sflag:$0x1], $0x1, v0, vm0, $0x4038;
	[tilespmem:$0x408] =	vst v63  }
0x41: {  	v0 =	vld.msk [tilespmem:s20+$0x0 ss:$0x1], $0xffff;
	_ =	sdelay $0x4  }
0x42: {  	v0 =	vmin.u32 v0, $0x80;
	_ =	sdelay $0x3  }
0x43: {  	s21 =	simm.s32 $0x3B8;
	s22 =	simm.s32 $0x1C8  }
0x44: {  	[spmem:s5] =	stream.indirect_vreg.scatter.add.s32 [tilespmem:s21], [sflag:$0x1], $0x1, v0, vm0, $0x4038;
	[tilespmem:$0x408] =	vst v63  }
0x45: {  	v0 =	vld.msk [tilespmem:s22+$0x0 ss:$0x1], $0xffff;
	_ =	sdelay $0x4  }
0x46: {  	v0 =	vmin.u32 v0, $0x80;
	_ =	sdelay $0x3  }
0x47: {  	s23 =	simm.s32 $0x3C8;
	s24 =	simm.s32 $0x1D8  }
0x48: {  	[spmem:s5] =	stream.indirect_vreg.scatter.add.s32 [tilespmem:s23], [sflag:$0x1], $0x1, v0, vm0, $0x4038;
	[tilespmem:$0x408] =	vst v63  }
0x49: {  	v0 =	vld.msk [tilespmem:s24+$0x0 ss:$0x1], $0xffff;
	_ =	sdelay $0x4  }
0x4a: {  	v0 =	vmin.u32 v0, $0x80;
	_ =	sdelay $0x3  }
0x4b: {  	s25 =	simm.s32 $0x3D8;
	s26 =	simm.s32 $0x1E8  }
0x4c: {  	[spmem:s5] =	stream.indirect_vreg.scatter.add.s32 [tilespmem:s25], [sflag:$0x1], $0x1, v0, vm0, $0x4038;
	[tilespmem:$0x408] =	vst v63  }
0x4d: {  	v0 =	vld.msk [tilespmem:s26+$0x0 ss:$0x1], $0xffff;
	_ =	sdelay $0x4  }
0x4e: {  	v0 =	vmin.u32 v0, $0x80;
	_ =	sdelay $0x3  }
0x4f: {  	s28 =	simm.s32 $0x3E8;
	s29 =	simm.s32 $0x1F8  }
0x50: {  	[spmem:s5] =	stream.indirect_vreg.scatter.add.s32 [tilespmem:s28], [sflag:$0x1], $0x1, v0, vm0, $0x4038;
	[tilespmem:$0x408] =	vst v63  }
0x51: {  	v0 =	vld.msk [tilespmem:s29+$0x0 ss:$0x1], $0xffff;
	_ =	sdelay $0x4  }
0x52: {  	v0 =	vmin.u32 v0, $0x80;
	_ =	sdelay $0x3  }
0x53: {  	s30 =	simm.s32 $0x3F8  }
0x54: {  	[spmem:s5] =	stream.indirect_vreg.scatter.add.s32 [tilespmem:s30], [sflag:$0x1], $0x1, v0, vm0, $0x4038;
	[tilespmem:$0x408] =	vst v63  }
0x55: {  	_ =	swait.ge [sflag:s3], $0x100  }
0x56: {  	[sflag:s3] =	ssyncset.done $0x0  }
0x57: {  	[sflag:s3] =	ssyncadd.s32 $0xFFFFFF00  }
0x58: {  	_ =	sfence.sel $0x180000  }
0x59: {  	[bflag:$0x0] =	sbarrier.arrive $0xFFFF  }
0x5a: {  	[sflag:s4] =	ssyncpa.u1 $0x1  }
0x5b: {  	[sflag:s3] =	ssyncpa.u1 $0x1  }
0x5c: {  	_ =	sfence.stream.spmem  }
0x5d: {  	s31 =	simm.s32 $0x3D;
	[bflag:$0x0] =	sbarrier.arrive $0xFFFF  }
0x5e: {  	s3 =	simm.s32 @p0 $0x3D;
	[sflag:s31] =	ssyncpa.u1 $0x0  }
0x5f: {  	[sflag:s3] =	ssyncpa.u1 @p0 $0x1  }
0x60: {  	[bflag:$0x0] =	sbarrier.arrive @p0 $0xFFFF  }
0x61: {  	_ =	strace @p0 $0x90000047  }
0x62: {  	s3 =	simm.s32 @!p0 $0x1C3D;
	[bflag:$0x2] =	sbarrier.arrive @p0 $0xFFFF  }
0x63: {  	[hbm:s1], [sflag:s3] =	dma.local @!p0 [spmem:s2], $0x10  }
0x64: {  	s1 =	simm.s32 @!p0 $0x3D  }
0x65: {  	_ =	swait.ge @!p0 [sflag:s1], $0x10  }
0x66: {  	[sflag:s1] =	ssyncset.done @!p0 $0x0  }
0x67: {  	[sflag:s1] =	ssyncadd.s32 @!p0 $0xFFFFFFF0  }
0x68: {  	[sflag:s1] =	ssyncpa.u1 @!p0 $0x1  }
0x69: {  	[bflag:$0x0] =	sbarrier.arrive @!p0 $0xFFFF  }
0x6a: {  	_ =	strace @!p0 $0x90000047  }
0x6b: {  	s0 =	sadd.s32 @!p0 $0x100000, s0;
	[bflag:$0x2] =	sbarrier.arrive @!p0 $0xFFFF  }
0x6c: {  	[sflag:s0] =	ssyncadd.tile.s32 @!p0 $0x1;
	_ =	shalt  }
.Lfunc_end2:
_tile_overlayer_lowered:
.L_overlay_start_2:
0x6d: {  	(tag) =	ssettag $0x2  }
0x6e: {  	s0 =	rddreg [dreg:$0x0];
	s2 =	stileid.u32  }
0x6f: {  	s1 =	rddreg [dreg:$0x1];
	p0 =	sne.s32 s2, $0x0  }
0x70: {  	s3 =	rddreg [dreg:$0x2];
	[bflag:$0x3] =	sbarrier.arrive $0xFFFF;
	s2 =	simm.s32 @!p0 $0x1C01  }
0x71: {  	[timem:s3], [sflag:s2] =	dma.local @!p0 [hbm:s0], s1  }
0x72: {  	s0 =	simm.s32 @!p0 $0x1  }
0x73: {  	_ =	swait.ge @!p0 [sflag:s0], s1  }
0x74: {  	s1 =	ssub.s32 @!p0 $0x0, s1;
	[sflag:s0] =	ssyncset.done @!p0 $0x0  }
0x75: {  	[sflag:s0] =	ssyncadd.s32 @!p0 s1  }
0x76: {  	[bflag:$0x3] =	sbarrier.arrive $0xFFFF  }
0x77: {  	_ =	shalt  }

</sc_bundles>
